<compile_context>
chip_gen: v7x
topology: tpu7x:2x2x1
jax: 0.10.2.dev20260603
libtpu: 0.0.44.dev20260713+nightly
codegen_flags: <defaults>
</compile_context>

<pallas_src>
import functools

import jax
import jax.numpy as jnp
from jax import lax
from jax.experimental import pallas as pl
from jax.experimental.pallas import tpu as pltpu
from jax.experimental.pallas import tpu_sc as plsc

_N = 10000
_D = 128
_H = 128
_G = 32

_NTILES = 32
_CHUNK = 128
_NPAD = 10240
_ROWS_PER_TILE = _NPAD // 16
_RB = 2000
_GRID = _N // _RB



def _agg_body(t_hbm, rows_hbm, cols_hbm, out_hbm,
              ridx_v, cidx_v, gbuf_v, acc_sh, sem, n_chunks):
    c = lax.axis_index("c")
    s = lax.axis_index("s")

    def _zrow(i, carry):
        for j in range(_H // 16):
            gbuf_v[i, pl.ds(j * 16, 16)] = jnp.zeros((16,), jnp.float32)
        return carry
    lax.fori_loop(0, _CHUNK, _zrow, 0)
    for k in range(_ROWS_PER_TILE // _CHUNK):
        pltpu.sync_copy(gbuf_v, acc_sh.at[pl.ds(s * _ROWS_PER_TILE + k * _CHUNK, _CHUNK)])
    plsc.subcore_barrier()

    per_tile = n_chunks * _CHUNK
    base = (c * 16 + s) * per_tile

    def _chunk(i, carry):
        off = pl.multiple_of(base + i * _CHUNK, 8)
        pltpu.sync_copy(rows_hbm.at[pl.ds(off, _CHUNK)], ridx_v)
        pltpu.sync_copy(cols_hbm.at[pl.ds(off, _CHUNK)], cidx_v)
        pltpu.async_copy(t_hbm.at[ridx_v], gbuf_v, sem).wait()
        pltpu.sync_copy(gbuf_v, acc_sh.at[cidx_v], add=True)
        return carry
    lax.fori_loop(0, n_chunks, _chunk, 0)

    plsc.subcore_barrier()
    row0 = s * _ROWS_PER_TILE
    pltpu.sync_copy(acc_sh.at[pl.ds(row0, _ROWS_PER_TILE)],
                    out_hbm.at[c, pl.ds(row0, _ROWS_PER_TILE)])


def _make_agg(n_chunks):
    return pl.kernel(
        functools.partial(_agg_body, n_chunks=n_chunks),
        out_type=jax.ShapeDtypeStruct((2, _NPAD, _H), jnp.float32),
        mesh=plsc.VectorSubcoreMesh(core_axis_name="c", subcore_axis_name="s"),
        scratch_types=[
            pltpu.VMEM((_CHUNK,), jnp.int32),
            pltpu.VMEM((_CHUNK,), jnp.int32),
            pltpu.VMEM((_CHUNK, _H), jnp.float32),
            pltpu.VMEM_SHARED((_NPAD, _H), jnp.float32),
            pltpu.SemaphoreType.DMA,
        ],
    )



def _dotT(a, w):
    return lax.dot_general(a, w, (((1,), (1,)), ((), ())),
                           preferred_element_type=jnp.float32)


def _lin_body(x_ref, w_ref, b_ref, o_ref):
    o_ref[...] = _dotT(x_ref[...], w_ref[...]) + b_ref[...]


def _mid_body(p0_ref, p1_ref, t_ref, w_ref, b_ref, o_ref):
    r = jnp.maximum(p0_ref[0] + p1_ref[0] + t_ref[...], 0.0)
    o_ref[...] = _dotT(r, w_ref[...]) + b_ref[...]


def _head_body(p0_ref, p1_ref, t_ref, batch_ref, wc_ref, bc_ref, o_ref,
               sums_ref, cnts_ref):
    i = pl.program_id(0)

    @pl.when(i == 0)
    def _():
        sums_ref[...] = jnp.zeros_like(sums_ref)
        cnts_ref[...] = jnp.zeros_like(cnts_ref)

    h = p0_ref[0] + p1_ref[0] + t_ref[...]
    b = batch_ref[0, 0, :]
    gids = lax.broadcasted_iota(jnp.int32, (_G, _RB), 0)
    mask = (gids == b[None, :]).astype(jnp.float32)
    sums_ref[...] += lax.dot_general(mask, h, (((1,), (0,)), ((), ())),
                                     preferred_element_type=jnp.float32)
    cnts_ref[...] += jnp.sum(mask, axis=1, keepdims=True)

    @pl.when(i == _GRID - 1)
    def _():
        pooled = sums_ref[...] / jnp.maximum(cnts_ref[...], 1.0)
        logits = jnp.sum(pooled * wc_ref[...], axis=1, keepdims=True) + bc_ref[0, 0]
        o_ref[...] = 1.0 / (1.0 + jnp.exp(-logits))


_row_spec = pl.BlockSpec((_RB, _H), lambda i: (i, 0))
_p0_spec = pl.BlockSpec((1, _RB, _H), lambda i: (0, i, 0))
_p1_spec = pl.BlockSpec((1, _RB, _H), lambda i: (1, i, 0))
_w_spec = pl.BlockSpec((_H, _H), lambda i: (0, 0))
_b_spec = pl.BlockSpec((1, _H), lambda i: (0, 0))


def _lin(x, w, b):
    return pl.pallas_call(
        _lin_body,
        grid=(_GRID,),
        in_specs=[_row_spec, _w_spec, _b_spec],
        out_specs=_row_spec,
        out_shape=jax.ShapeDtypeStruct((_N, _H), jnp.float32),
    )(x, w, b.reshape(1, _H))


def _mid(parts, t, w, b):
    return pl.pallas_call(
        _mid_body,
        grid=(_GRID,),
        in_specs=[_p0_spec, _p1_spec, _row_spec, _w_spec, _b_spec],
        out_specs=_row_spec,
        out_shape=jax.ShapeDtypeStruct((_N, _H), jnp.float32),
    )(parts, parts, t, w, b.reshape(1, _H))


def _head(parts, t, batch3, wc, bc):
    return pl.pallas_call(
        _head_body,
        grid=(_GRID,),
        in_specs=[
            _p0_spec, _p1_spec, _row_spec,
            pl.BlockSpec((1, 1, _RB), lambda i: (i, 0, 0)),
            pl.BlockSpec((1, _H), lambda i: (0, 0)),
            pl.BlockSpec((1, 1), lambda i: (0, 0)),
        ],
        out_specs=pl.BlockSpec((_G, 1), lambda i: (0, 0)),
        out_shape=jax.ShapeDtypeStruct((_G, 1), jnp.float32),
        scratch_shapes=[
            pltpu.VMEM((_G, _H), jnp.float32),
            pltpu.VMEM((_G, 1), jnp.float32),
        ],
    )(parts, parts, t, batch3, wc, bc.reshape(1, 1))



def kernel(x, edge_index, batch, W1, b1, W2, b2, W3, b3, W4, b4, Wc, bc):
    e = edge_index.shape[1]
    per_tile_chunks = -(-e // (_NTILES * _CHUNK))
    e_pad = per_tile_chunks * _NTILES * _CHUNK
    pad = e_pad - e
    rows = jnp.concatenate([edge_index[0], jnp.zeros((pad,), jnp.int32)])
    cols = jnp.concatenate([edge_index[1], jnp.full((pad,), _N, jnp.int32)])
    batch3 = batch.reshape(_GRID, 1, _RB)

    agg = _make_agg(per_tile_chunks)

    t1 = _lin(x, W1, b1)
    p1 = agg(t1, rows, cols)
    t2 = _mid(p1, t1, W2, b2)
    p2 = agg(t2, rows, cols)
    t3 = _mid(p2, t2, W3, b3)
    p3 = agg(t3, rows, cols)
    t4 = _mid(p3, t3, W4, b4)
    p4 = agg(t4, rows, cols)
    return _head(p4, t4, batch3, Wc, bc)

# --- scband reference (transcript-rebuilt; emitter-appended) ---
"""Pipeline reference for scband-mpnnsummarizer-31456340476251 (READ-ONLY COPY).

The authoritative reference and input builder live on the scoring server;
editing this copy changes nothing except your own understanding.
"""

import jax, jax.numpy as jnp
import numpy as np

N = 10000
E = 320000
D = 128
H = 128
G = 32


def _lin_params(k, fan_out, fan_in):
    bound = 1.0 / np.sqrt(fan_in)
    kw, kb = jax.random.split(k)
    W = jax.random.uniform(kw, (fan_out, fan_in), minval=-bound, maxval=bound, dtype=jnp.float32)
    b = jax.random.uniform(kb, (fan_out,), minval=-bound, maxval=bound, dtype=jnp.float32)
    return W, b


def setup_inputs(seed: int = 0) -> dict:
    key = jax.random.key(seed)
    ks = jax.random.split(key, 8)
    inp = {}
    inp['x'] = jax.random.normal(ks[0], (N, D), dtype=jnp.float32)
    inp['edge_index'] = jax.random.randint(ks[1], (2, E), 0, N, dtype=jnp.int32)
    inp['batch'] = jnp.sort(jax.random.randint(ks[2], (N,), 0, G, dtype=jnp.int32))
    inp['W1'], inp['b1'] = _lin_params(ks[3], H, D)
    inp['W2'], inp['b2'] = _lin_params(ks[4], H, H)
    inp['W3'], inp['b3'] = _lin_params(ks[5], H, H)
    inp['W4'], inp['b4'] = _lin_params(ks[6], H, H)
    inp['Wc'], inp['bc'] = _lin_params(ks[7], 1, H)
    return inp


def _conv(x, edge_index, W, b):
    # MPNNConvolutionalLayer: add_self_loops -> lin -> (deg norm computed but
    # unused, since message() returns raw x_j) -> scatter-add aggregation.
    n = x.shape[0]
    loops = jnp.arange(n, dtype=edge_index.dtype)
    ei = jnp.concatenate([edge_index, jnp.stack([loops, loops], axis=0)], axis=1)
    h = x @ W.T + b
    row, col = ei[0], ei[1]
    deg = jnp.zeros((n,), dtype=h.dtype).at[col].add(1.0)
    deg_inv_sqrt = deg ** -0.5
    norm = deg_inv_sqrt[row] * deg_inv_sqrt[col]  # computed as in torch, but message() ignores it
    out = jnp.zeros_like(h).at[col].add(h[row])
    return out


def reference(x, edge_index, batch, W1, b1, W2, b2, W3, b3, W4, b4, Wc, bc):
    # dropout is identity in eval mode
    h = _conv(x, edge_index, W1, b1)
    h = jax.nn.relu(h)
    h = _conv(h, edge_index, W2, b2)
    h = jax.nn.relu(h)
    h = _conv(h, edge_index, W3, b3)
    h = jax.nn.relu(h)
    h = _conv(h, edge_index, W4, b4)
    sums = jax.ops.segment_sum(h, batch, num_segments=G)
    counts = jax.ops.segment_sum(jnp.ones((h.shape[0],), dtype=h.dtype), batch, num_segments=G)
    pooled = sums / jnp.maximum(counts, 1.0)[:, None]
    logits = pooled @ Wc.T + bc
    return jax.nn.sigmoid(logits)

if __name__ == "__main__":
    import jax
    _d = setup_inputs()
    print(jax.jit(kernel)(*tuple(_d.values())))

</pallas_src>

<mosaic_0001>
#map = affine_map<(d0, d1) -> (0, 0)>
#map1 = affine_map<(d0, d1) -> (0)>
#map2 = affine_map<(d0, d1) -> (0, 0, 0)>
module attributes {stable_mosaic.version = 14 : i64} {
  func.func @_agg_body(%arg0: i32, %arg1: i32, %arg2: memref<10000x128xf32, #tpu.memory_space<hbm>>, %arg3: memref<323584xi32, #tpu.memory_space<hbm>>, %arg4: memref<323584xi32, #tpu.memory_space<hbm>>, %arg5: memref<2x10240x128xf32, #tpu.memory_space<hbm>>, %arg6: memref<128xi32, #tpu.memory_space<vmem>>, %arg7: memref<128xi32, #tpu.memory_space<vmem>>, %arg8: memref<128x128xf32, #tpu.memory_space<vmem>>, %arg9: memref<10240x128xf32, #tpu.memory_space<vmem_shared>>, %arg10: memref<!tpu.dma_semaphore, #tpu.memory_space<semaphore_mem>>) attributes {dimension_semantics = [#tpu.dimension_semantics<core_parallel>, #tpu.dimension_semantics<subcore_parallel>], iteration_bounds = array<i64: 2, 16>, scalar_prefetch = 0 : i64, scratch_operands = 5 : i64, tpu.core_type = #tpu.core_type<sc_vector_subcore>, window_params = [{transform_indices = #map}, {transform_indices = #map1}, {transform_indices = #map1}, {transform_indices = #map2}]} {
    %scan3A = arith.constant 0 : i32
    %scan3A_0 = arith.constant 0 : i32
    %scan3A_1 = arith.constant 128 : i32
    %scan3A_2 = arith.addi %scan3A_0, %scan3A_1 : i32
    %scan3A_3 = arith.constant 1 : i32
    scf.for %scan3A_37 = %scan3A_0 to %scan3A_2 step %scan3A_3  : i32 {
      %broadcast_in_dim3A = arith.constant 0.000000e+00 : f32
      %broadcast_in_dim3A_38 = vector.broadcast %broadcast_in_dim3A : f32 to vector<16xf32>
      %swap3A = arith.index_cast %scan3A_37 : i32 to index
      %swap3A_39 = arith.constant 0 : index
      %swap3A_40 = tpu.vector_load %arg8[%swap3A, %swap3A_39] {strides = array<i32>} : memref<128x128xf32, #tpu.memory_space<vmem>>, vector<1x16xf32>,
      %swap3A_41 = vector.shape_cast %swap3A_40 : vector<1x16xf32> to vector<16xf32>
      %swap3A_42 = vector.shape_cast %broadcast_in_dim3A_38 : vector<16xf32> to vector<1x16xf32>
      tpu.vector_store %arg8[%swap3A, %swap3A_39], %swap3A_42 {strides = array<i32>} : memref<128x128xf32, #tpu.memory_space<vmem>>, vector<1x16xf32>,
      %broadcast_in_dim3A_43 = arith.constant 0.000000e+00 : f32
      %broadcast_in_dim3A_44 = vector.broadcast %broadcast_in_dim3A_43 : f32 to vector<16xf32>
      %swap3A_45 = arith.index_cast %scan3A_37 : i32 to index
      %swap3A_46 = arith.constant 16 : index
      %swap3A_47 = tpu.vector_load %arg8[%swap3A_45, %swap3A_46] {strides = array<i32>} : memref<128x128xf32, #tpu.memory_space<vmem>>, vector<1x16xf32>,
      %swap3A_48 = vector.shape_cast %swap3A_47 : vector<1x16xf32> to vector<16xf32>
      %swap3A_49 = vector.shape_cast %broadcast_in_dim3A_44 : vector<16xf32> to vector<1x16xf32>
      tpu.vector_store %arg8[%swap3A_45, %swap3A_46], %swap3A_49 {strides = array<i32>} : memref<128x128xf32, #tpu.memory_space<vmem>>, vector<1x16xf32>,
      %broadcast_in_dim3A_50 = arith.constant 0.000000e+00 : f32
      %broadcast_in_dim3A_51 = vector.broadcast %broadcast_in_dim3A_50 : f32 to vector<16xf32>
      %swap3A_52 = arith.index_cast %scan3A_37 : i32 to index
      %swap3A_53 = arith.constant 32 : index
      %swap3A_54 = tpu.vector_load %arg8[%swap3A_52, %swap3A_53] {strides = array<i32>} : memref<128x128xf32, #tpu.memory_space<vmem>>, vector<1x16xf32>,
      %swap3A_55 = vector.shape_cast %swap3A_54 : vector<1x16xf32> to vector<16xf32>
      %swap3A_56 = vector.shape_cast %broadcast_in_dim3A_51 : vector<16xf32> to vector<1x16xf32>
      tpu.vector_store %arg8[%swap3A_52, %swap3A_53], %swap3A_56 {strides = array<i32>} : memref<128x128xf32, #tpu.memory_space<vmem>>, vector<1x16xf32>,
      %broadcast_in_dim3A_57 = arith.constant 0.000000e+00 : f32
      %broadcast_in_dim3A_58 = vector.broadcast %broadcast_in_dim3A_57 : f32 to vector<16xf32>
      %swap3A_59 = arith.index_cast %scan3A_37 : i32 to index
      %swap3A_60 = arith.constant 48 : index
      %swap3A_61 = tpu.vector_load %arg8[%swap3A_59, %swap3A_60] {strides = array<i32>} : memref<128x128xf32, #tpu.memory_space<vmem>>, vector<1x16xf32>,
      %swap3A_62 = vector.shape_cast %swap3A_61 : vector<1x16xf32> to vector<16xf32>
      %swap3A_63 = vector.shape_cast %broadcast_in_dim3A_58 : vector<16xf32> to vector<1x16xf32>
      tpu.vector_store %arg8[%swap3A_59, %swap3A_60], %swap3A_63 {strides = array<i32>} : memref<128x128xf32, #tpu.memory_space<vmem>>, vector<1x16xf32>,
      %broadcast_in_dim3A_64 = arith.constant 0.000000e+00 : f32
      %broadcast_in_dim3A_65 = vector.broadcast %broadcast_in_dim3A_64 : f32 to vector<16xf32>
      %swap3A_66 = arith.index_cast %scan3A_37 : i32 to index
      %swap3A_67 = arith.constant 64 : index
      %swap3A_68 = tpu.vector_load %arg8[%swap3A_66, %swap3A_67] {strides = array<i32>} : memref<128x128xf32, #tpu.memory_space<vmem>>, vector<1x16xf32>,
      %swap3A_69 = vector.shape_cast %swap3A_68 : vector<1x16xf32> to vector<16xf32>
      %swap3A_70 = vector.shape_cast %broadcast_in_dim3A_65 : vector<16xf32> to vector<1x16xf32>
      tpu.vector_store %arg8[%swap3A_66, %swap3A_67], %swap3A_70 {strides = array<i32>} : memref<128x128xf32, #tpu.memory_space<vmem>>, vector<1x16xf32>,
      %broadcast_in_dim3A_71 = arith.constant 0.000000e+00 : f32
      %broadcast_in_dim3A_72 = vector.broadcast %broadcast_in_dim3A_71 : f32 to vector<16xf32>
      %swap3A_73 = arith.index_cast %scan3A_37 : i32 to index
      %swap3A_74 = arith.constant 80 : index
      %swap3A_75 = tpu.vector_load %arg8[%swap3A_73, %swap3A_74] {strides = array<i32>} : memref<128x128xf32, #tpu.memory_space<vmem>>, vector<1x16xf32>,
      %swap3A_76 = vector.shape_cast %swap3A_75 : vector<1x16xf32> to vector<16xf32>
      %swap3A_77 = vector.shape_cast %broadcast_in_dim3A_72 : vector<16xf32> to vector<1x16xf32>
      tpu.vector_store %arg8[%swap3A_73, %swap3A_74], %swap3A_77 {strides = array<i32>} : memref<128x128xf32, #tpu.memory_space<vmem>>, vector<1x16xf32>,
      %broadcast_in_dim3A_78 = arith.constant 0.000000e+00 : f32
      %broadcast_in_dim3A_79 = vector.broadcast %broadcast_in_dim3A_78 : f32 to vector<16xf32>
      %swap3A_80 = arith.index_cast %scan3A_37 : i32 to index
      %swap3A_81 = arith.constant 96 : index
      %swap3A_82 = tpu.vector_load %arg8[%swap3A_80, %swap3A_81] {strides = array<i32>} : memref<128x128xf32, #tpu.memory_space<vmem>>, vector<1x16xf32>,
      %swap3A_83 = vector.shape_cast %swap3A_82 : vector<1x16xf32> to vector<16xf32>
      %swap3A_84 = vector.shape_cast %broadcast_in_dim3A_79 : vector<16xf32> to vector<1x16xf32>
      tpu.vector_store %arg8[%swap3A_80, %swap3A_81], %swap3A_84 {strides = array<i32>} : memref<128x128xf32, #tpu.memory_space<vmem>>, vector<1x16xf32>,
      %broadcast_in_dim3A_85 = arith.constant 0.000000e+00 : f32
      %broadcast_in_dim3A_86 = vector.broadcast %broadcast_in_dim3A_85 : f32 to vector<16xf32>
      %swap3A_87 = arith.index_cast %scan3A_37 : i32 to index
      %swap3A_88 = arith.constant 112 : index
      %swap3A_89 = tpu.vector_load %arg8[%swap3A_87, %swap3A_88] {strides = array<i32>} : memref<128x128xf32, #tpu.memory_space<vmem>>, vector<1x16xf32>,
      %swap3A_90 = vector.shape_cast %swap3A_89 : vector<1x16xf32> to vector<16xf32>
      %swap3A_91 = vector.shape_cast %broadcast_in_dim3A_86 : vector<16xf32> to vector<1x16xf32>
      tpu.vector_store %arg8[%swap3A_87, %swap3A_88], %swap3A_91 {strides = array<i32>} : memref<128x128xf32, #tpu.memory_space<vmem>>, vector<1x16xf32>,
    }
    %scan3A_4 = arith.constant 128 : i32
    %mul3A = arith.constant 640 : i32
    %mul3A_5 = arith.muli %arg1, %mul3A : i32
    %add3A = arith.constant 0 : i32
    %add3A_6 = arith.addi %mul3A_5, %add3A : i32
    "tpu.region"() ({
      %run_scoped3A = tpu.sem_alloc : memref<!tpu.dma_semaphore, #tpu.memory_space<semaphore_mem>>
      %dma_start3A = arith.constant 0 : i32
      %dma_start3A_37 = tpu.memref_slice %arg9[%add3A_6, %dma_start3A] : memref<10240x128xf32, #tpu.memory_space<vmem_shared>> -> memref<128x128xf32, #tpu.memory_space<vmem_shared>>
      %dma_start3A_38 = arith.constant 0 : i32
      %dma_start3A_39 = tpu.memref_slice %arg9[%add3A_6, %dma_start3A_38] : memref<10240x128xf32, #tpu.memory_space<vmem_shared>> -> memref<128x128xf32, #tpu.memory_space<vmem_shared>>
      tpu.enqueue_dma source(%arg8 : memref<128x128xf32, #tpu.memory_space<vmem>>) target(%dma_start3A_39 : memref<128x128xf32, #tpu.memory_space<vmem_shared>>) target_semaphore(%run_scoped3A : memref<!tpu.dma_semaphore, #tpu.memory_space<semaphore_mem>>)
      %dma_wait3A = arith.constant 0 : i32
      %dma_wait3A_40 = tpu.memref_slice %arg9[%add3A_6, %dma_wait3A] : memref<10240x128xf32, #tpu.memory_space<vmem_shared>> -> memref<128x128xf32, #tpu.memory_space<vmem_shared>>
      %dma_wait3A_41 = arith.constant 0 : i32
      %dma_wait3A_42 = tpu.memref_slice %arg9[%add3A_6, %dma_wait3A_41] : memref<10240x128xf32, #tpu.memory_space<vmem_shared>> -> memref<128x128xf32, #tpu.memory_space<vmem_shared>>
      tpu.wait_dma2 semaphore(%run_scoped3A : memref<!tpu.dma_semaphore, #tpu.memory_space<semaphore_mem>>) src(%arg8 : memref<128x128xf32, #tpu.memory_space<vmem>>) dst(%dma_wait3A_42 : memref<128x128xf32, #tpu.memory_space<vmem_shared>>)
      tpu.yield
    }) : () -> ()
    %mul3A_7 = arith.constant 640 : i32
    %mul3A_8 = arith.muli %arg1, %mul3A_7 : i32
    %add3A_9 = arith.constant 128 : i32
    %add3A_10 = arith.addi %mul3A_8, %add3A_9 : i32
    "tpu.region"() ({
      %run_scoped3A = tpu.sem_alloc : memref<!tpu.dma_semaphore, #tpu.memory_space<semaphore_mem>>
      %dma_start3A = arith.constant 0 : i32
      %dma_start3A_37 = tpu.memref_slice %arg9[%add3A_10, %dma_start3A] : memref<10240x128xf32, #tpu.memory_space<vmem_shared>> -> memref<128x128xf32, #tpu.memory_space<vmem_shared>>
      %dma_start3A_38 = arith.constant 0 : i32
      %dma_start3A_39 = tpu.memref_slice %arg9[%add3A_10, %dma_start3A_38] : memref<10240x128xf32, #tpu.memory_space<vmem_shared>> -> memref<128x128xf32, #tpu.memory_space<vmem_shared>>
      tpu.enqueue_dma source(%arg8 : memref<128x128xf32, #tpu.memory_space<vmem>>) target(%dma_start3A_39 : memref<128x128xf32, #tpu.memory_space<vmem_shared>>) target_semaphore(%run_scoped3A : memref<!tpu.dma_semaphore, #tpu.memory_space<semaphore_mem>>)
      %dma_wait3A = arith.constant 0 : i32
      %dma_wait3A_40 = tpu.memref_slice %arg9[%add3A_10, %dma_wait3A] : memref<10240x128xf32, #tpu.memory_space<vmem_shared>> -> memref<128x128xf32, #tpu.memory_space<vmem_shared>>
      %dma_wait3A_41 = arith.constant 0 : i32
      %dma_wait3A_42 = tpu.memref_slice %arg9[%add3A_10, %dma_wait3A_41] : memref<10240x128xf32, #tpu.memory_space<vmem_shared>> -> memref<128x128xf32, #tpu.memory_space<vmem_shared>>
      tpu.wait_dma2 semaphore(%run_scoped3A : memref<!tpu.dma_semaphore, #tpu.memory_space<semaphore_mem>>) src(%arg8 : memref<128x128xf32, #tpu.memory_space<vmem>>) dst(%dma_wait3A_42 : memref<128x128xf32, #tpu.memory_space<vmem_shared>>)
      tpu.yield
    }) : () -> ()
    %mul3A_11 = arith.constant 640 : i32
    %mul3A_12 = arith.muli %arg1, %mul3A_11 : i32
    %add3A_13 = arith.constant 256 : i32
    %add3A_14 = arith.addi %mul3A_12, %add3A_13 : i32
    "tpu.region"() ({
      %run_scoped3A = tpu.sem_alloc : memref<!tpu.dma_semaphore, #tpu.memory_space<semaphore_mem>>
      %dma_start3A = arith.constant 0 : i32
      %dma_start3A_37 = tpu.memref_slice %arg9[%add3A_14, %dma_start3A] : memref<10240x128xf32, #tpu.memory_space<vmem_shared>> -> memref<128x128xf32, #tpu.memory_space<vmem_shared>>
      %dma_start3A_38 = arith.constant 0 : i32
      %dma_start3A_39 = tpu.memref_slice %arg9[%add3A_14, %dma_start3A_38] : memref<10240x128xf32, #tpu.memory_space<vmem_shared>> -> memref<128x128xf32, #tpu.memory_space<vmem_shared>>
      tpu.enqueue_dma source(%arg8 : memref<128x128xf32, #tpu.memory_space<vmem>>) target(%dma_start3A_39 : memref<128x128xf32, #tpu.memory_space<vmem_shared>>) target_semaphore(%run_scoped3A : memref<!tpu.dma_semaphore, #tpu.memory_space<semaphore_mem>>)
      %dma_wait3A = arith.constant 0 : i32
      %dma_wait3A_40 = tpu.memref_slice %arg9[%add3A_14, %dma_wait3A] : memref<10240x128xf32, #tpu.memory_space<vmem_shared>> -> memref<128x128xf32, #tpu.memory_space<vmem_shared>>
      %dma_wait3A_41 = arith.constant 0 : i32
      %dma_wait3A_42 = tpu.memref_slice %arg9[%add3A_14, %dma_wait3A_41] : memref<10240x128xf32, #tpu.memory_space<vmem_shared>> -> memref<128x128xf32, #tpu.memory_space<vmem_shared>>
      tpu.wait_dma2 semaphore(%run_scoped3A : memref<!tpu.dma_semaphore, #tpu.memory_space<semaphore_mem>>) src(%arg8 : memref<128x128xf32, #tpu.memory_space<vmem>>) dst(%dma_wait3A_42 : memref<128x128xf32, #tpu.memory_space<vmem_shared>>)
      tpu.yield
    }) : () -> ()
    %mul3A_15 = arith.constant 640 : i32
    %mul3A_16 = arith.muli %arg1, %mul3A_15 : i32
    %add3A_17 = arith.constant 384 : i32
    %add3A_18 = arith.addi %mul3A_16, %add3A_17 : i32
    "tpu.region"() ({
      %run_scoped3A = tpu.sem_alloc : memref<!tpu.dma_semaphore, #tpu.memory_space<semaphore_mem>>
      %dma_start3A = arith.constant 0 : i32
      %dma_start3A_37 = tpu.memref_slice %arg9[%add3A_18, %dma_start3A] : memref<10240x128xf32, #tpu.memory_space<vmem_shared>> -> memref<128x128xf32, #tpu.memory_space<vmem_shared>>
      %dma_start3A_38 = arith.constant 0 : i32
      %dma_start3A_39 = tpu.memref_slice %arg9[%add3A_18, %dma_start3A_38] : memref<10240x128xf32, #tpu.memory_space<vmem_shared>> -> memref<128x128xf32, #tpu.memory_space<vmem_shared>>
      tpu.enqueue_dma source(%arg8 : memref<128x128xf32, #tpu.memory_space<vmem>>) target(%dma_start3A_39 : memref<128x128xf32, #tpu.memory_space<vmem_shared>>) target_semaphore(%run_scoped3A : memref<!tpu.dma_semaphore, #tpu.memory_space<semaphore_mem>>)
      %dma_wait3A = arith.constant 0 : i32
      %dma_wait3A_40 = tpu.memref_slice %arg9[%add3A_18, %dma_wait3A] : memref<10240x128xf32, #tpu.memory_space<vmem_shared>> -> memref<128x128xf32, #tpu.memory_space<vmem_shared>>
      %dma_wait3A_41 = arith.constant 0 : i32
      %dma_wait3A_42 = tpu.memref_slice %arg9[%add3A_18, %dma_wait3A_41] : memref<10240x128xf32, #tpu.memory_space<vmem_shared>> -> memref<128x128xf32, #tpu.memory_space<vmem_shared>>
      tpu.wait_dma2 semaphore(%run_scoped3A : memref<!tpu.dma_semaphore, #tpu.memory_space<semaphore_mem>>) src(%arg8 : memref<128x128xf32, #tpu.memory_space<vmem>>) dst(%dma_wait3A_42 : memref<128x128xf32, #tpu.memory_space<vmem_shared>>)
      tpu.yield
    }) : () -> ()
    %mul3A_19 = arith.constant 640 : i32
    %mul3A_20 = arith.muli %arg1, %mul3A_19 : i32
    %add3A_21 = arith.constant 512 : i32
    %add3A_22 = arith.addi %mul3A_20, %add3A_21 : i32
    "tpu.region"() ({
      %run_scoped3A = tpu.sem_alloc : memref<!tpu.dma_semaphore, #tpu.memory_space<semaphore_mem>>
      %dma_start3A = arith.constant 0 : i32
      %dma_start3A_37 = tpu.memref_slice %arg9[%add3A_22, %dma_start3A] : memref<10240x128xf32, #tpu.memory_space<vmem_shared>> -> memref<128x128xf32, #tpu.memory_space<vmem_shared>>
      %dma_start3A_38 = arith.constant 0 : i32
      %dma_start3A_39 = tpu.memref_slice %arg9[%add3A_22, %dma_start3A_38] : memref<10240x128xf32, #tpu.memory_space<vmem_shared>> -> memref<128x128xf32, #tpu.memory_space<vmem_shared>>
      tpu.enqueue_dma source(%arg8 : memref<128x128xf32, #tpu.memory_space<vmem>>) target(%dma_start3A_39 : memref<128x128xf32, #tpu.memory_space<vmem_shared>>) target_semaphore(%run_scoped3A : memref<!tpu.dma_semaphore, #tpu.memory_space<semaphore_mem>>)
      %dma_wait3A = arith.constant 0 : i32
      %dma_wait3A_40 = tpu.memref_slice %arg9[%add3A_22, %dma_wait3A] : memref<10240x128xf32, #tpu.memory_space<vmem_shared>> -> memref<128x128xf32, #tpu.memory_space<vmem_shared>>
      %dma_wait3A_41 = arith.constant 0 : i32
      %dma_wait3A_42 = tpu.memref_slice %arg9[%add3A_22, %dma_wait3A_41] : memref<10240x128xf32, #tpu.memory_space<vmem_shared>> -> memref<128x128xf32, #tpu.memory_space<vmem_shared>>
      tpu.wait_dma2 semaphore(%run_scoped3A : memref<!tpu.dma_semaphore, #tpu.memory_space<semaphore_mem>>) src(%arg8 : memref<128x128xf32, #tpu.memory_space<vmem>>) dst(%dma_wait3A_42 : memref<128x128xf32, #tpu.memory_space<vmem_shared>>)
      tpu.yield
    }) : () -> ()
    %barrier3A = arith.constant 0 : index
    tpu.barrier barrier_id(%barrier3A)
    %mul3A_23 = arith.constant 16 : i32
    %mul3A_24 = arith.muli %arg0, %mul3A_23 : i32
    %add3A_25 = arith.addi %mul3A_24, %arg1 : i32
    %mul3A_26 = arith.constant 10112 : i32
    %mul3A_27 = arith.muli %add3A_25, %mul3A_26 : i32
    %scan3A_28 = arith.constant 0 : i32
    %scan3A_29 = arith.constant 0 : i32
    %scan3A_30 = arith.constant 79 : i32
    %scan3A_31 = arith.addi %scan3A_29, %scan3A_30 : i32
    %scan3A_32 = arith.constant 1 : i32
    scf.for %scan3A_37 = %scan3A_29 to %scan3A_31 step %scan3A_32  : i32 {
      %mul3A_38 = arith.constant 128 : i32
      %mul3A_39 = arith.muli %scan3A_37, %mul3A_38 : i32
      %add3A_40 = arith.addi %mul3A_27, %mul3A_39 : i32
      %multiple_of3A = tpu.assume_multiple %add3A_40, 8 : i32
      "tpu.region"() ({
        %run_scoped3A = tpu.sem_alloc : memref<!tpu.dma_semaphore, #tpu.memory_space<semaphore_mem>>
        %dma_start3A_45 = tpu.memref_slice %arg3[%multiple_of3A] : memref<323584xi32, #tpu.memory_space<hbm>> -> memref<128xi32, #tpu.memory_space<hbm>>
        %dma_start3A_46 = tpu.memref_slice %arg3[%multiple_of3A] : memref<323584xi32, #tpu.memory_space<hbm>> -> memref<128xi32, #tpu.memory_space<hbm>>
        tpu.enqueue_dma source(%dma_start3A_46 : memref<128xi32, #tpu.memory_space<hbm>>) target(%arg6 : memref<128xi32, #tpu.memory_space<vmem>>) target_semaphore(%run_scoped3A : memref<!tpu.dma_semaphore, #tpu.memory_space<semaphore_mem>>)
        %dma_wait3A_47 = tpu.memref_slice %arg3[%multiple_of3A] : memref<323584xi32, #tpu.memory_space<hbm>> -> memref<128xi32, #tpu.memory_space<hbm>>
        %dma_wait3A_48 = tpu.memref_slice %arg3[%multiple_of3A] : memref<323584xi32, #tpu.memory_space<hbm>> -> memref<128xi32, #tpu.memory_space<hbm>>
        tpu.wait_dma2 semaphore(%run_scoped3A : memref<!tpu.dma_semaphore, #tpu.memory_space<semaphore_mem>>) src(%dma_wait3A_48 : memref<128xi32, #tpu.memory_space<hbm>>) dst(%arg6 : memref<128xi32, #tpu.memory_space<vmem>>)
        tpu.yield
      }) : () -> ()
      "tpu.region"() ({
        %run_scoped3A = tpu.sem_alloc : memref<!tpu.dma_semaphore, #tpu.memory_space<semaphore_mem>>
        %dma_start3A_45 = tpu.memref_slice %arg4[%multiple_of3A] : memref<323584xi32, #tpu.memory_space<hbm>> -> memref<128xi32, #tpu.memory_space<hbm>>
        %dma_start3A_46 = tpu.memref_slice %arg4[%multiple_of3A] : memref<323584xi32, #tpu.memory_space<hbm>> -> memref<128xi32, #tpu.memory_space<hbm>>
        tpu.enqueue_dma source(%dma_start3A_46 : memref<128xi32, #tpu.memory_space<hbm>>) target(%arg7 : memref<128xi32, #tpu.memory_space<vmem>>) target_semaphore(%run_scoped3A : memref<!tpu.dma_semaphore, #tpu.memory_space<semaphore_mem>>)
        %dma_wait3A_47 = tpu.memref_slice %arg4[%multiple_of3A] : memref<323584xi32, #tpu.memory_space<hbm>> -> memref<128xi32, #tpu.memory_space<hbm>>
        %dma_wait3A_48 = tpu.memref_slice %arg4[%multiple_of3A] : memref<323584xi32, #tpu.memory_space<hbm>> -> memref<128xi32, #tpu.memory_space<hbm>>
        tpu.wait_dma2 semaphore(%run_scoped3A : memref<!tpu.dma_semaphore, #tpu.memory_space<semaphore_mem>>) src(%dma_wait3A_48 : memref<128xi32, #tpu.memory_space<hbm>>) dst(%arg7 : memref<128xi32, #tpu.memory_space<vmem>>)
        tpu.yield
      }) : () -> ()
      %dma_start3A = arith.constant 0 : i32
      %dma_start3A_41 = arith.constant 0 : i32
      %dma_start3A_42 = tpu.memref_slice %arg2[%dma_start3A, %dma_start3A_41] : memref<10000x128xf32, #tpu.memory_space<hbm>> -> memref<10000x128xf32, #tpu.memory_space<hbm>>
      tpu.enqueue_indirect_dma source(%dma_start3A_42 : memref<10000x128xf32, #tpu.memory_space<hbm>>) target(%arg8 : memref<128x128xf32, #tpu.memory_space<vmem>>) offsets(%arg6 : memref<128xi32, #tpu.memory_space<vmem>>) semaphore(%arg10 : memref<!tpu.dma_semaphore, #tpu.memory_space<semaphore_mem>>)
      %dma_wait3A = arith.constant 0 : i32
      %dma_wait3A_43 = arith.constant 0 : i32
      %dma_wait3A_44 = tpu.memref_slice %arg2[%dma_wait3A, %dma_wait3A_43] : memref<10000x128xf32, #tpu.memory_space<hbm>> -> memref<10000x128xf32, #tpu.memory_space<hbm>>
      tpu.wait_indirect_dma semaphore(%arg10 : memref<!tpu.dma_semaphore, #tpu.memory_space<semaphore_mem>>) src(%dma_wait3A_44 : memref<10000x128xf32, #tpu.memory_space<hbm>>) dst(%arg8 : memref<128x128xf32, #tpu.memory_space<vmem>>)
      "tpu.region"() ({
        %run_scoped3A = tpu.sem_alloc : memref<!tpu.dma_semaphore, #tpu.memory_space<semaphore_mem>>
        %dma_start3A_45 = arith.constant 0 : i32
        %dma_start3A_46 = arith.constant 0 : i32
        %dma_start3A_47 = tpu.memref_slice %arg9[%dma_start3A_45, %dma_start3A_46] : memref<10240x128xf32, #tpu.memory_space<vmem_shared>> -> memref<10240x128xf32, #tpu.memory_space<vmem_shared>>
        tpu.enqueue_indirect_dma source(%arg8 : memref<128x128xf32, #tpu.memory_space<vmem>>) target(%dma_start3A_47 : memref<10240x128xf32, #tpu.memory_space<vmem_shared>>) offsets(%arg7 : memref<128xi32, #tpu.memory_space<vmem>>) semaphore(%run_scoped3A : memref<!tpu.dma_semaphore, #tpu.memory_space<semaphore_mem>>) {add = true}
        %dma_wait3A_48 = arith.constant 0 : i32
        %dma_wait3A_49 = arith.constant 0 : i32
        %dma_wait3A_50 = tpu.memref_slice %arg9[%dma_wait3A_48, %dma_wait3A_49] : memref<10240x128xf32, #tpu.memory_space<vmem_shared>> -> memref<10240x128xf32, #tpu.memory_space<vmem_shared>>
        tpu.wait_indirect_dma semaphore(%run_scoped3A : memref<!tpu.dma_semaphore, #tpu.memory_space<semaphore_mem>>) src(%arg8 : memref<128x128xf32, #tpu.memory_space<vmem>>) dst(%dma_wait3A_50 : memref<10240x128xf32, #tpu.memory_space<vmem_shared>>)
        tpu.yield
      }) : () -> ()
    }
    %scan3A_33 = arith.constant 79 : i32
    %barrier3A_34 = arith.constant 0 : index
    tpu.barrier barrier_id(%barrier3A_34)
    %mul3A_35 = arith.constant 640 : i32
    %mul3A_36 = arith.muli %arg1, %mul3A_35 : i32
    "tpu.region"() ({
      %run_scoped3A = tpu.sem_alloc : memref<!tpu.dma_semaphore, #tpu.memory_space<semaphore_mem>>
      %dma_start3A = arith.constant 0 : i32
      %dma_start3A_37 = tpu.memref_slice %arg5[%arg0, %mul3A_36, %dma_start3A] : memref<2x10240x128xf32, #tpu.memory_space<hbm>> -> memref<1x640x128xf32, #tpu.memory_space<hbm>>
      %dma_start3A_38 = tpu.memref_squeeze %dma_start3A_37 : memref<1x640x128xf32, #tpu.memory_space<hbm>> -> memref<640x128xf32, #tpu.memory_space<hbm>>
      %dma_start3A_39 = arith.constant 0 : i32
      %dma_start3A_40 = tpu.memref_slice %arg9[%mul3A_36, %dma_start3A_39] : memref<10240x128xf32, #tpu.memory_space<vmem_shared>> -> memref<640x128xf32, #tpu.memory_space<vmem_shared>>
      tpu.enqueue_dma source(%dma_start3A_40 : memref<640x128xf32, #tpu.memory_space<vmem_shared>>) target(%dma_start3A_38 : memref<640x128xf32, #tpu.memory_space<hbm>>) target_semaphore(%run_scoped3A : memref<!tpu.dma_semaphore, #tpu.memory_space<semaphore_mem>>)
      %dma_wait3A = arith.constant 0 : i32
      %dma_wait3A_41 = tpu.memref_slice %arg5[%arg0, %mul3A_36, %dma_wait3A] : memref<2x10240x128xf32, #tpu.memory_space<hbm>> -> memref<1x640x128xf32, #tpu.memory_space<hbm>>
      %dma_wait3A_42 = tpu.memref_squeeze %dma_wait3A_41 : memref<1x640x128xf32, #tpu.memory_space<hbm>> -> memref<640x128xf32, #tpu.memory_space<hbm>>
      %dma_wait3A_43 = arith.constant 0 : i32
      %dma_wait3A_44 = tpu.memref_slice %arg9[%mul3A_36, %dma_wait3A_43] : memref<10240x128xf32, #tpu.memory_space<vmem_shared>> -> memref<640x128xf32, #tpu.memory_space<vmem_shared>>
      tpu.wait_dma2 semaphore(%run_scoped3A : memref<!tpu.dma_semaphore, #tpu.memory_space<semaphore_mem>>) src(%dma_wait3A_44 : memref<640x128xf32, #tpu.memory_space<vmem_shared>>) dst(%dma_wait3A_42 : memref<640x128xf32, #tpu.memory_space<hbm>>)
      tpu.yield
    }) : () -> ()
    return
  }
}

#map = affine_map<(d0, d1) -> (0, 0)>
#map1 = affine_map<(d0, d1) -> (0)>
#map2 = affine_map<(d0, d1) -> (0, 0, 0)>
module attributes {stable_mosaic.version = 14 : i64} {
  func.func @_agg_body(%arg0: i32, %arg1: i32, %arg2: memref<10000x128xf32, #tpu.memory_space<hbm>>, %arg3: memref<323584xi32, #tpu.memory_space<hbm>>, %arg4: memref<323584xi32, #tpu.memory_space<hbm>>, %arg5: memref<2x10240x128xf32, #tpu.memory_space<hbm>>, %arg6: memref<128xi32, #tpu.memory_space<vmem>>, %arg7: memref<128xi32, #tpu.memory_space<vmem>>, %arg8: memref<128x128xf32, #tpu.memory_space<vmem>>, %arg9: memref<10240x128xf32, #tpu.memory_space<vmem_shared>>, %arg10: memref<!tpu.dma_semaphore, #tpu.memory_space<semaphore_mem>>) attributes {dimension_semantics = [#tpu.dimension_semantics<core_parallel>, #tpu.dimension_semantics<subcore_parallel>], iteration_bounds = array<i64: 2, 16>, scalar_prefetch = 0 : i64, scratch_operands = 5 : i64, tpu.core_type = #tpu.core_type<sc_vector_subcore>, window_params = [{transform_indices = #map}, {transform_indices = #map1}, {transform_indices = #map1}, {transform_indices = #map2}]} {
    %scan3A = arith.constant 0 : i32
    %scan3A_0 = arith.constant 0 : i32
    %scan3A_1 = arith.constant 128 : i32
    %scan3A_2 = arith.addi %scan3A_0, %scan3A_1 : i32
    %scan3A_3 = arith.constant 1 : i32
    scf.for %scan3A_37 = %scan3A_0 to %scan3A_2 step %scan3A_3  : i32 {
      %broadcast_in_dim3A = arith.constant 0.000000e+00 : f32
      %broadcast_in_dim3A_38 = vector.broadcast %broadcast_in_dim3A : f32 to vector<16xf32>
      %swap3A = arith.index_cast %scan3A_37 : i32 to index
      %swap3A_39 = arith.constant 0 : index
      %swap3A_40 = tpu.vector_load %arg8[%swap3A, %swap3A_39] {strides = array<i32>} : memref<128x128xf32, #tpu.memory_space<vmem>>, vector<1x16xf32>,
      %swap3A_41 = vector.shape_cast %swap3A_40 : vector<1x16xf32> to vector<16xf32>
      %swap3A_42 = vector.shape_cast %broadcast_in_dim3A_38 : vector<16xf32> to vector<1x16xf32>
      tpu.vector_store %arg8[%swap3A, %swap3A_39], %swap3A_42 {strides = array<i32>} : memref<128x128xf32, #tpu.memory_space<vmem>>, vector<1x16xf32>,
      %broadcast_in_dim3A_43 = arith.constant 0.000000e+00 : f32
      %broadcast_in_dim3A_44 = vector.broadcast %broadcast_in_dim3A_43 : f32 to vector<16xf32>
      %swap3A_45 = arith.index_cast %scan3A_37 : i32 to index
      %swap3A_46 = arith.constant 16 : index
      %swap3A_47 = tpu.vector_load %arg8[%swap3A_45, %swap3A_46] {strides = array<i32>} : memref<128x128xf32, #tpu.memory_space<vmem>>, vector<1x16xf32>,
      %swap3A_48 = vector.shape_cast %swap3A_47 : vector<1x16xf32> to vector<16xf32>
      %swap3A_49 = vector.shape_cast %broadcast_in_dim3A_44 : vector<16xf32> to vector<1x16xf32>
      tpu.vector_store %arg8[%swap3A_45, %swap3A_46], %swap3A_49 {strides = array<i32>} : memref<128x128xf32, #tpu.memory_space<vmem>>, vector<1x16xf32>,
      %broadcast_in_dim3A_50 = arith.constant 0.000000e+00 : f32
      %broadcast_in_dim3A_51 = vector.broadcast %broadcast_in_dim3A_50 : f32 to vector<16xf32>
      %swap3A_52 = arith.index_cast %scan3A_37 : i32 to index
      %swap3A_53 = arith.constant 32 : index
      %swap3A_54 = tpu.vector_load %arg8[%swap3A_52, %swap3A_53] {strides = array<i32>} : memref<128x128xf32, #tpu.memory_space<vmem>>, vector<1x16xf32>,
      %swap3A_55 = vector.shape_cast %swap3A_54 : vector<1x16xf32> to vector<16xf32>
      %swap3A_56 = vector.shape_cast %broadcast_in_dim3A_51 : vector<16xf32> to vector<1x16xf32>
      tpu.vector_store %arg8[%swap3A_52, %swap3A_53], %swap3A_56 {strides = array<i32>} : memref<128x128xf32, #tpu.memory_space<vmem>>, vector<1x16xf32>,
      %broadcast_in_dim3A_57 = arith.constant 0.000000e+00 : f32
      %broadcast_in_dim3A_58 = vector.broadcast %broadcast_in_dim3A_57 : f32 to vector<16xf32>
      %swap3A_59 = arith.index_cast %scan3A_37 : i32 to index
      %swap3A_60 = arith.constant 48 : index
      %swap3A_61 = tpu.vector_load %arg8[%swap3A_59, %swap3A_60] {strides = array<i32>} : memref<128x128xf32, #tpu.memory_space<vmem>>, vector<1x16xf32>,
      %swap3A_62 = vector.shape_cast %swap3A_61 : vector<1x16xf32> to vector<16xf32>
      %swap3A_63 = vector.shape_cast %broadcast_in_dim3A_58 : vector<16xf32> to vector<1x16xf32>
      tpu.vector_store %arg8[%swap3A_59, %swap3A_60], %swap3A_63 {strides = array<i32>} : memref<128x128xf32, #tpu.memory_space<vmem>>, vector<1x16xf32>,
      %broadcast_in_dim3A_64 = arith.constant 0.000000e+00 : f32
      %broadcast_in_dim3A_65 = vector.broadcast %broadcast_in_dim3A_64 : f32 to vector<16xf32>
      %swap3A_66 = arith.index_cast %scan3A_37 : i32 to index
      %swap3A_67 = arith.constant 64 : index
      %swap3A_68 = tpu.vector_load %arg8[%swap3A_66, %swap3A_67] {strides = array<i32>} : memref<128x128xf32, #tpu.memory_space<vmem>>, vector<1x16xf32>,
      %swap3A_69 = vector.shape_cast %swap3A_68 : vector<1x16xf32> to vector<16xf32>
      %swap3A_70 = vector.shape_cast %broadcast_in_dim3A_65 : vector<16xf32> to vector<1x16xf32>
      tpu.vector_store %arg8[%swap3A_66, %swap3A_67], %swap3A_70 {strides = array<i32>} : memref<128x128xf32, #tpu.memory_space<vmem>>, vector<1x16xf32>,
      %broadcast_in_dim3A_71 = arith.constant 0.000000e+00 : f32
      %broadcast_in_dim3A_72 = vector.broadcast %broadcast_in_dim3A_71 : f32 to vector<16xf32>
      %swap3A_73 = arith.index_cast %scan3A_37 : i32 to index
      %swap3A_74 = arith.constant 80 : index
      %swap3A_75 = tpu.vector_load %arg8[%swap3A_73, %swap3A_74] {strides = array<i32>} : memref<128x128xf32, #tpu.memory_space<vmem>>, vector<1x16xf32>,
      %swap3A_76 = vector.shape_cast %swap3A_75 : vector<1x16xf32> to vector<16xf32>
      %swap3A_77 = vector.shape_cast %broadcast_in_dim3A_72 : vector<16xf32> to vector<1x16xf32>
      tpu.vector_store %arg8[%swap3A_73, %swap3A_74], %swap3A_77 {strides = array<i32>} : memref<128x128xf32, #tpu.memory_space<vmem>>, vector<1x16xf32>,
      %broadcast_in_dim3A_78 = arith.constant 0.000000e+00 : f32
      %broadcast_in_dim3A_79 = vector.broadcast %broadcast_in_dim3A_78 : f32 to vector<16xf32>
      %swap3A_80 = arith.index_cast %scan3A_37 : i32 to index
      %swap3A_81 = arith.constant 96 : index
      %swap3A_82 = tpu.vector_load %arg8[%swap3A_80, %swap3A_81] {strides = array<i32>} : memref<128x128xf32, #tpu.memory_space<vmem>>, vector<1x16xf32>,
      %swap3A_83 = vector.shape_cast %swap3A_82 : vector<1x16xf32> to vector<16xf32>
      %swap3A_84 = vector.shape_cast %broadcast_in_dim3A_79 : vector<16xf32> to vector<1x16xf32>
      tpu.vector_store %arg8[%swap3A_80, %swap3A_81], %swap3A_84 {strides = array<i32>} : memref<128x128xf32, #tpu.memory_space<vmem>>, vector<1x16xf32>,
      %broadcast_in_dim3A_85 = arith.constant 0.000000e+00 : f32
      %broadcast_in_dim3A_86 = vector.broadcast %broadcast_in_dim3A_85 : f32 to vector<16xf32>
      %swap3A_87 = arith.index_cast %scan3A_37 : i32 to index
      %swap3A_88 = arith.constant 112 : index
      %swap3A_89 = tpu.vector_load %arg8[%swap3A_87, %swap3A_88] {strides = array<i32>} : memref<128x128xf32, #tpu.memory_space<vmem>>, vector<1x16xf32>,
      %swap3A_90 = vector.shape_cast %swap3A_89 : vector<1x16xf32> to vector<16xf32>
      %swap3A_91 = vector.shape_cast %broadcast_in_dim3A_86 : vector<16xf32> to vector<1x16xf32>
      tpu.vector_store %arg8[%swap3A_87, %swap3A_88], %swap3A_91 {strides = array<i32>} : memref<128x128xf32, #tpu.memory_space<vmem>>, vector<1x16xf32>,
    }
    %scan3A_4 = arith.constant 128 : i32
    %mul3A = arith.constant 640 : i32
    %mul3A_5 = arith.muli %arg1, %mul3A : i32
    %add3A = arith.constant 0 : i32
    %add3A_6 = arith.addi %mul3A_5, %add3A : i32
    "tpu.region"() ({
      %run_scoped3A = tpu.sem_alloc : memref<!tpu.dma_semaphore, #tpu.memory_space<semaphore_mem>>
      %dma_start3A = arith.constant 0 : i32
      %dma_start3A_37 = tpu.memref_slice %arg9[%add3A_6, %dma_start3A] : memref<10240x128xf32, #tpu.memory_space<vmem_shared>> -> memref<128x128xf32, #tpu.memory_space<vmem_shared>>
      %dma_start3A_38 = arith.constant 0 : i32
      %dma_start3A_39 = tpu.memref_slice %arg9[%add3A_6, %dma_start3A_38] : memref<10240x128xf32, #tpu.memory_space<vmem_shared>> -> memref<128x128xf32, #tpu.memory_space<vmem_shared>>
      tpu.enqueue_dma source(%arg8 : memref<128x128xf32, #tpu.memory_space<vmem>>) target(%dma_start3A_39 : memref<128x128xf32, #tpu.memory_space<vmem_shared>>) target_semaphore(%run_scoped3A : memref<!tpu.dma_semaphore, #tpu.memory_space<semaphore_mem>>)
      %dma_wait3A = arith.constant 0 : i32
      %dma_wait3A_40 = tpu.memref_slice %arg9[%add3A_6, %dma_wait3A] : memref<10240x128xf32, #tpu.memory_space<vmem_shared>> -> memref<128x128xf32, #tpu.memory_space<vmem_shared>>
      %dma_wait3A_41 = arith.constant 0 : i32
      %dma_wait3A_42 = tpu.memref_slice %arg9[%add3A_6, %dma_wait3A_41] : memref<10240x128xf32, #tpu.memory_space<vmem_shared>> -> memref<128x128xf32, #tpu.memory_space<vmem_shared>>
      tpu.wait_dma2 semaphore(%run_scoped3A : memref<!tpu.dma_semaphore, #tpu.memory_space<semaphore_mem>>) src(%arg8 : memref<128x128xf32, #tpu.memory_space<vmem>>) dst(%dma_wait3A_42 : memref<128x128xf32, #tpu.memory_space<vmem_shared>>)
      tpu.yield
    }) : () -> ()
    %mul3A_7 = arith.constant 640 : i32
    %mul3A_8 = arith.muli %arg1, %mul3A_7 : i32
    %add3A_9 = arith.constant 128 : i32
    %add3A_10 = arith.addi %mul3A_8, %add3A_9 : i32
    "tpu.region"() ({
      %run_scoped3A = tpu.sem_alloc : memref<!tpu.dma_semaphore, #tpu.memory_space<semaphore_mem>>
      %dma_start3A = arith.constant 0 : i32
      %dma_start3A_37 = tpu.memref_slice %arg9[%add3A_10, %dma_start3A] : memref<10240x128xf32, #tpu.memory_space<vmem_shared>> -> memref<128x128xf32, #tpu.memory_space<vmem_shared>>
      %dma_start3A_38 = arith.constant 0 : i32
      %dma_start3A_39 = tpu.memref_slice %arg9[%add3A_10, %dma_start3A_38] : memref<10240x128xf32, #tpu.memory_space<vmem_shared>> -> memref<128x128xf32, #tpu.memory_space<vmem_shared>>
      tpu.enqueue_dma source(%arg8 : memref<128x128xf32, #tpu.memory_space<vmem>>) target(%dma_start3A_39 : memref<128x128xf32, #tpu.memory_space<vmem_shared>>) target_semaphore(%run_scoped3A : memref<!tpu.dma_semaphore, #tpu.memory_space<semaphore_mem>>)
      %dma_wait3A = arith.constant 0 : i32
      %dma_wait3A_40 = tpu.memref_slice %arg9[%add3A_10, %dma_wait3A] : memref<10240x128xf32, #tpu.memory_space<vmem_shared>> -> memref<128x128xf32, #tpu.memory_space<vmem_shared>>
      %dma_wait3A_41 = arith.constant 0 : i32
      %dma_wait3A_42 = tpu.memref_slice %arg9[%add3A_10, %dma_wait3A_41] : memref<10240x128xf32, #tpu.memory_space<vmem_shared>> -> memref<128x128xf32, #tpu.memory_space<vmem_shared>>
      tpu.wait_dma2 semaphore(%run_scoped3A : memref<!tpu.dma_semaphore, #tpu.memory_space<semaphore_mem>>) src(%arg8 : memref<128x128xf32, #tpu.memory_space<vmem>>) dst(%dma_wait3A_42 : memref<128x128xf32, #tpu.memory_space<vmem_shared>>)
      tpu.yield
    }) : () -> ()
    %mul3A_11 = arith.constant 640 : i32
    %mul3A_12 = arith.muli %arg1, %mul3A_11 : i32
    %add3A_13 = arith.constant 256 : i32
    %add3A_14 = arith.addi %mul3A_12, %add3A_13 : i32
    "tpu.region"() ({
      %run_scoped3A = tpu.sem_alloc : memref<!tpu.dma_semaphore, #tpu.memory_space<semaphore_mem>>
      %dma_start3A = arith.constant 0 : i32
      %dma_start3A_37 = tpu.memref_slice %arg9[%add3A_14, %dma_start3A] : memref<10240x128xf32, #tpu.memory_space<vmem_shared>> -> memref<128x128xf32, #tpu.memory_space<vmem_shared>>
      %dma_start3A_38 = arith.constant 0 : i32
      %dma_start3A_39 = tpu.memref_slice %arg9[%add3A_14, %dma_start3A_38] : memref<10240x128xf32, #tpu.memory_space<vmem_shared>> -> memref<128x128xf32, #tpu.memory_space<vmem_shared>>
      tpu.enqueue_dma source(%arg8 : memref<128x128xf32, #tpu.memory_space<vmem>>) target(%dma_start3A_39 : memref<128x128xf32, #tpu.memory_space<vmem_shared>>) target_semaphore(%run_scoped3A : memref<!tpu.dma_semaphore, #tpu.memory_space<semaphore_mem>>)
      %dma_wait3A = arith.constant 0 : i32
      %dma_wait3A_40 = tpu.memref_slice %arg9[%add3A_14, %dma_wait3A] : memref<10240x128xf32, #tpu.memory_space<vmem_shared>> -> memref<128x128xf32, #tpu.memory_space<vmem_shared>>
      %dma_wait3A_41 = arith.constant 0 : i32
      %dma_wait3A_42 = tpu.memref_slice %arg9[%add3A_14, %dma_wait3A_41] : memref<10240x128xf32, #tpu.memory_space<vmem_shared>> -> memref<128x128xf32, #tpu.memory_space<vmem_shared>>
      tpu.wait_dma2 semaphore(%run_scoped3A : memref<!tpu.dma_semaphore, #tpu.memory_space<semaphore_mem>>) src(%arg8 : memref<128x128xf32, #tpu.memory_space<vmem>>) dst(%dma_wait3A_42 : memref<128x128xf32, #tpu.memory_space<vmem_shared>>)
      tpu.yield
    }) : () -> ()
    %mul3A_15 = arith.constant 640 : i32
    %mul3A_16 = arith.muli %arg1, %mul3A_15 : i32
    %add3A_17 = arith.constant 384 : i32
    %add3A_18 = arith.addi %mul3A_16, %add3A_17 : i32
    "tpu.region"() ({
      %run_scoped3A = tpu.sem_alloc : memref<!tpu.dma_semaphore, #tpu.memory_space<semaphore_mem>>
      %dma_start3A = arith.constant 0 : i32
      %dma_start3A_37 = tpu.memref_slice %arg9[%add3A_18, %dma_start3A] : memref<10240x128xf32, #tpu.memory_space<vmem_shared>> -> memref<128x128xf32, #tpu.memory_space<vmem_shared>>
      %dma_start3A_38 = arith.constant 0 : i32
      %dma_start3A_39 = tpu.memref_slice %arg9[%add3A_18, %dma_start3A_38] : memref<10240x128xf32, #tpu.memory_space<vmem_shared>> -> memref<128x128xf32, #tpu.memory_space<vmem_shared>>
      tpu.enqueue_dma source(%arg8 : memref<128x128xf32, #tpu.memory_space<vmem>>) target(%dma_start3A_39 : memref<128x128xf32, #tpu.memory_space<vmem_shared>>) target_semaphore(%run_scoped3A : memref<!tpu.dma_semaphore, #tpu.memory_space<semaphore_mem>>)
      %dma_wait3A = arith.constant 0 : i32
      %dma_wait3A_40 = tpu.memref_slice %arg9[%add3A_18, %dma_wait3A] : memref<10240x128xf32, #tpu.memory_space<vmem_shared>> -> memref<128x128xf32, #tpu.memory_space<vmem_shared>>
      %dma_wait3A_41 = arith.constant 0 : i32
      %dma_wait3A_42 = tpu.memref_slice %arg9[%add3A_18, %dma_wait3A_41] : memref<10240x128xf32, #tpu.memory_space<vmem_shared>> -> memref<128x128xf32, #tpu.memory_space<vmem_shared>>
      tpu.wait_dma2 semaphore(%run_scoped3A : memref<!tpu.dma_semaphore, #tpu.memory_space<semaphore_mem>>) src(%arg8 : memref<128x128xf32, #tpu.memory_space<vmem>>) dst(%dma_wait3A_42 : memref<128x128xf32, #tpu.memory_space<vmem_shared>>)
      tpu.yield
    }) : () -> ()
    %mul3A_19 = arith.constant 640 : i32
    %mul3A_20 = arith.muli %arg1, %mul3A_19 : i32
    %add3A_21 = arith.constant 512 : i32
    %add3A_22 = arith.addi %mul3A_20, %add3A_21 : i32
    "tpu.region"() ({
      %run_scoped3A = tpu.sem_alloc : memref<!tpu.dma_semaphore, #tpu.memory_space<semaphore_mem>>
      %dma_start3A = arith.constant 0 : i32
      %dma_start3A_37 = tpu.memref_slice %arg9[%add3A_22, %dma_start3A] : memref<10240x128xf32, #tpu.memory_space<vmem_shared>> -> memref<128x128xf32, #tpu.memory_space<vmem_shared>>
      %dma_start3A_38 = arith.constant 0 : i32
      %dma_start3A_39 = tpu.memref_slice %arg9[%add3A_22, %dma_start3A_38] : memref<10240x128xf32, #tpu.memory_space<vmem_shared>> -> memref<128x128xf32, #tpu.memory_space<vmem_shared>>
      tpu.enqueue_dma source(%arg8 : memref<128x128xf32, #tpu.memory_space<vmem>>) target(%dma_start3A_39 : memref<128x128xf32, #tpu.memory_space<vmem_shared>>) target_semaphore(%run_scoped3A : memref<!tpu.dma_semaphore, #tpu.memory_space<semaphore_mem>>)
      %dma_wait3A = arith.constant 0 : i32
      %dma_wait3A_40 = tpu.memref_slice %arg9[%add3A_22, %dma_wait3A] : memref<10240x128xf32, #tpu.memory_space<vmem_shared>> -> memref<128x128xf32, #tpu.memory_space<vmem_shared>>
      %dma_wait3A_41 = arith.constant 0 : i32
      %dma_wait3A_42 = tpu.memref_slice %arg9[%add3A_22, %dma_wait3A_41] : memref<10240x128xf32, #tpu.memory_space<vmem_shared>> -> memref<128x128xf32, #tpu.memory_space<vmem_shared>>
      tpu.wait_dma2 semaphore(%run_scoped3A : memref<!tpu.dma_semaphore, #tpu.memory_space<semaphore_mem>>) src(%arg8 : memref<128x128xf32, #tpu.memory_space<vmem>>) dst(%dma_wait3A_42 : memref<128x128xf32, #tpu.memory_space<vmem_shared>>)
      tpu.yield
    }) : () -> ()
    %barrier3A = arith.constant 0 : index
    tpu.barrier barrier_id(%barrier3A)
    %mul3A_23 = arith.constant 16 : i32
    %mul3A_24 = arith.muli %arg0, %mul3A_23 : i32
    %add3A_25 = arith.addi %mul3A_24, %arg1 : i32
    %mul3A_26 = arith.constant 10112 : i32
    %mul3A_27 = arith.muli %add3A_25, %mul3A_26 : i32
    %scan3A_28 = arith.constant 0 : i32
    %scan3A_29 = arith.constant 0 : i32
    %scan3A_30 = arith.constant 79 : i32
    %scan3A_31 = arith.addi %scan3A_29, %scan3A_30 : i32
    %scan3A_32 = arith.constant 1 : i32
    scf.for %scan3A_37 = %scan3A_29 to %scan3A_31 step %scan3A_32  : i32 {
      %mul3A_38 = arith.constant 128 : i32
      %mul3A_39 = arith.muli %scan3A_37, %mul3A_38 : i32
      %add3A_40 = arith.addi %mul3A_27, %mul3A_39 : i32
      %multiple_of3A = tpu.assume_multiple %add3A_40, 8 : i32
      "tpu.region"() ({
        %run_scoped3A = tpu.sem_alloc : memref<!tpu.dma_semaphore, #tpu.memory_space<semaphore_mem>>
        %dma_start3A_45 = tpu.memref_slice %arg3[%multiple_of3A] : memref<323584xi32, #tpu.memory_space<hbm>> -> memref<128xi32, #tpu.memory_space<hbm>>
        %dma_start3A_46 = tpu.memref_slice %arg3[%multiple_of3A] : memref<323584xi32, #tpu.memory_space<hbm>> -> memref<128xi32, #tpu.memory_space<hbm>>
        tpu.enqueue_dma source(%dma_start3A_46 : memref<128xi32, #tpu.memory_space<hbm>>) target(%arg6 : memref<128xi32, #tpu.memory_space<vmem>>) target_semaphore(%run_scoped3A : memref<!tpu.dma_semaphore, #tpu.memory_space<semaphore_mem>>)
        %dma_wait3A_47 = tpu.memref_slice %arg3[%multiple_of3A] : memref<323584xi32, #tpu.memory_space<hbm>> -> memref<128xi32, #tpu.memory_space<hbm>>
        %dma_wait3A_48 = tpu.memref_slice %arg3[%multiple_of3A] : memref<323584xi32, #tpu.memory_space<hbm>> -> memref<128xi32, #tpu.memory_space<hbm>>
        tpu.wait_dma2 semaphore(%run_scoped3A : memref<!tpu.dma_semaphore, #tpu.memory_space<semaphore_mem>>) src(%dma_wait3A_48 : memref<128xi32, #tpu.memory_space<hbm>>) dst(%arg6 : memref<128xi32, #tpu.memory_space<vmem>>)
        tpu.yield
      }) : () -> ()
      "tpu.region"() ({
        %run_scoped3A = tpu.sem_alloc : memref<!tpu.dma_semaphore, #tpu.memory_space<semaphore_mem>>
        %dma_start3A_45 = tpu.memref_slice %arg4[%multiple_of3A] : memref<323584xi32, #tpu.memory_space<hbm>> -> memref<128xi32, #tpu.memory_space<hbm>>
        %dma_start3A_46 = tpu.memref_slice %arg4[%multiple_of3A] : memref<323584xi32, #tpu.memory_space<hbm>> -> memref<128xi32, #tpu.memory_space<hbm>>
        tpu.enqueue_dma source(%dma_start3A_46 : memref<128xi32, #tpu.memory_space<hbm>>) target(%arg7 : memref<128xi32, #tpu.memory_space<vmem>>) target_semaphore(%run_scoped3A : memref<!tpu.dma_semaphore, #tpu.memory_space<semaphore_mem>>)
        %dma_wait3A_47 = tpu.memref_slice %arg4[%multiple_of3A] : memref<323584xi32, #tpu.memory_space<hbm>> -> memref<128xi32, #tpu.memory_space<hbm>>
        %dma_wait3A_48 = tpu.memref_slice %arg4[%multiple_of3A] : memref<323584xi32, #tpu.memory_space<hbm>> -> memref<128xi32, #tpu.memory_space<hbm>>
        tpu.wait_dma2 semaphore(%run_scoped3A : memref<!tpu.dma_semaphore, #tpu.memory_space<semaphore_mem>>) src(%dma_wait3A_48 : memref<128xi32, #tpu.memory_space<hbm>>) dst(%arg7 : memref<128xi32, #tpu.memory_space<vmem>>)
        tpu.yield
      }) : () -> ()
      %dma_start3A = arith.constant 0 : i32
      %dma_start3A_41 = arith.constant 0 : i32
      %dma_start3A_42 = tpu.memref_slice %arg2[%dma_start3A, %dma_start3A_41] : memref<10000x128xf32, #tpu.memory_space<hbm>> -> memref<10000x128xf32, #tpu.memory_space<hbm>>
      tpu.enqueue_indirect_dma source(%dma_start3A_42 : memref<10000x128xf32, #tpu.memory_space<hbm>>) target(%arg8 : memref<128x128xf32, #tpu.memory_space<vmem>>) offsets(%arg6 : memref<128xi32, #tpu.memory_space<vmem>>) semaphore(%arg10 : memref<!tpu.dma_semaphore, #tpu.memory_space<semaphore_mem>>)
      %dma_wait3A = arith.constant 0 : i32
      %dma_wait3A_43 = arith.constant 0 : i32
      %dma_wait3A_44 = tpu.memref_slice %arg2[%dma_wait3A, %dma_wait3A_43] : memref<10000x128xf32, #tpu.memory_space<hbm>> -> memref<10000x128xf32, #tpu.memory_space<hbm>>
      tpu.wait_indirect_dma semaphore(%arg10 : memref<!tpu.dma_semaphore, #tpu.memory_space<semaphore_mem>>) src(%dma_wait3A_44 : memref<10000x128xf32, #tpu.memory_space<hbm>>) dst(%arg8 : memref<128x128xf32, #tpu.memory_space<vmem>>)
      "tpu.region"() ({
        %run_scoped3A = tpu.sem_alloc : memref<!tpu.dma_semaphore, #tpu.memory_space<semaphore_mem>>
        %dma_start3A_45 = arith.constant 0 : i32
        %dma_start3A_46 = arith.constant 0 : i32
        %dma_start3A_47 = tpu.memref_slice %arg9[%dma_start3A_45, %dma_start3A_46] : memref<10240x128xf32, #tpu.memory_space<vmem_shared>> -> memref<10240x128xf32, #tpu.memory_space<vmem_shared>>
        tpu.enqueue_indirect_dma source(%arg8 : memref<128x128xf32, #tpu.memory_space<vmem>>) target(%dma_start3A_47 : memref<10240x128xf32, #tpu.memory_space<vmem_shared>>) offsets(%arg7 : memref<128xi32, #tpu.memory_space<vmem>>) semaphore(%run_scoped3A : memref<!tpu.dma_semaphore, #tpu.memory_space<semaphore_mem>>) {add = true}
        %dma_wait3A_48 = arith.constant 0 : i32
        %dma_wait3A_49 = arith.constant 0 : i32
        %dma_wait3A_50 = tpu.memref_slice %arg9[%dma_wait3A_48, %dma_wait3A_49] : memref<10240x128xf32, #tpu.memory_space<vmem_shared>> -> memref<10240x128xf32, #tpu.memory_space<vmem_shared>>
        tpu.wait_indirect_dma semaphore(%run_scoped3A : memref<!tpu.dma_semaphore, #tpu.memory_space<semaphore_mem>>) src(%arg8 : memref<128x128xf32, #tpu.memory_space<vmem>>) dst(%dma_wait3A_50 : memref<10240x128xf32, #tpu.memory_space<vmem_shared>>)
        tpu.yield
      }) : () -> ()
    }
    %scan3A_33 = arith.constant 79 : i32
    %barrier3A_34 = arith.constant 0 : index
    tpu.barrier barrier_id(%barrier3A_34)
    %mul3A_35 = arith.constant 640 : i32
    %mul3A_36 = arith.muli %arg1, %mul3A_35 : i32
    "tpu.region"() ({
      %run_scoped3A = tpu.sem_alloc : memref<!tpu.dma_semaphore, #tpu.memory_space<semaphore_mem>>
      %dma_start3A = arith.constant 0 : i32
      %dma_start3A_37 = tpu.memref_slice %arg5[%arg0, %mul3A_36, %dma_start3A] : memref<2x10240x128xf32, #tpu.memory_space<hbm>> -> memref<1x640x128xf32, #tpu.memory_space<hbm>>
      %dma_start3A_38 = tpu.memref_squeeze %dma_start3A_37 : memref<1x640x128xf32, #tpu.memory_space<hbm>> -> memref<640x128xf32, #tpu.memory_space<hbm>>
      %dma_start3A_39 = arith.constant 0 : i32
      %dma_start3A_40 = tpu.memref_slice %arg9[%mul3A_36, %dma_start3A_39] : memref<10240x128xf32, #tpu.memory_space<vmem_shared>> -> memref<640x128xf32, #tpu.memory_space<vmem_shared>>
      tpu.enqueue_dma source(%dma_start3A_40 : memref<640x128xf32, #tpu.memory_space<vmem_shared>>) target(%dma_start3A_38 : memref<640x128xf32, #tpu.memory_space<hbm>>) target_semaphore(%run_scoped3A : memref<!tpu.dma_semaphore, #tpu.memory_space<semaphore_mem>>)
      %dma_wait3A = arith.constant 0 : i32
      %dma_wait3A_41 = tpu.memref_slice %arg5[%arg0, %mul3A_36, %dma_wait3A] : memref<2x10240x128xf32, #tpu.memory_space<hbm>> -> memref<1x640x128xf32, #tpu.memory_space<hbm>>
      %dma_wait3A_42 = tpu.memref_squeeze %dma_wait3A_41 : memref<1x640x128xf32, #tpu.memory_space<hbm>> -> memref<640x128xf32, #tpu.memory_space<hbm>>
      %dma_wait3A_43 = arith.constant 0 : i32
      %dma_wait3A_44 = tpu.memref_slice %arg9[%mul3A_36, %dma_wait3A_43] : memref<10240x128xf32, #tpu.memory_space<vmem_shared>> -> memref<640x128xf32, #tpu.memory_space<vmem_shared>>
      tpu.wait_dma2 semaphore(%run_scoped3A : memref<!tpu.dma_semaphore, #tpu.memory_space<semaphore_mem>>) src(%dma_wait3A_44 : memref<640x128xf32, #tpu.memory_space<vmem_shared>>) dst(%dma_wait3A_42 : memref<640x128xf32, #tpu.memory_space<hbm>>)
      tpu.yield
    }) : () -> ()
    return
  }
}

#map = affine_map<(d0, d1) -> (0, 0)>
#map1 = affine_map<(d0, d1) -> (0)>
#map2 = affine_map<(d0, d1) -> (0, 0, 0)>
module attributes {stable_mosaic.version = 14 : i64} {
  func.func @_agg_body(%arg0: i32, %arg1: i32, %arg2: memref<10000x128xf32, #tpu.memory_space<hbm>>, %arg3: memref<323584xi32, #tpu.memory_space<hbm>>, %arg4: memref<323584xi32, #tpu.memory_space<hbm>>, %arg5: memref<2x10240x128xf32, #tpu.memory_space<hbm>>, %arg6: memref<128xi32, #tpu.memory_space<vmem>>, %arg7: memref<128xi32, #tpu.memory_space<vmem>>, %arg8: memref<128x128xf32, #tpu.memory_space<vmem>>, %arg9: memref<10240x128xf32, #tpu.memory_space<vmem_shared>>, %arg10: memref<!tpu.dma_semaphore, #tpu.memory_space<semaphore_mem>>) attributes {dimension_semantics = [#tpu.dimension_semantics<core_parallel>, #tpu.dimension_semantics<subcore_parallel>], iteration_bounds = array<i64: 2, 16>, scalar_prefetch = 0 : i64, scratch_operands = 5 : i64, tpu.core_type = #tpu.core_type<sc_vector_subcore>, window_params = [{transform_indices = #map}, {transform_indices = #map1}, {transform_indices = #map1}, {transform_indices = #map2}]} {
    %scan3A = arith.constant 0 : i32
    %scan3A_0 = arith.constant 0 : i32
    %scan3A_1 = arith.constant 128 : i32
    %scan3A_2 = arith.addi %scan3A_0, %scan3A_1 : i32
    %scan3A_3 = arith.constant 1 : i32
    scf.for %scan3A_37 = %scan3A_0 to %scan3A_2 step %scan3A_3  : i32 {
      %broadcast_in_dim3A = arith.constant 0.000000e+00 : f32
      %broadcast_in_dim3A_38 = vector.broadcast %broadcast_in_dim3A : f32 to vector<16xf32>
      %swap3A = arith.index_cast %scan3A_37 : i32 to index
      %swap3A_39 = arith.constant 0 : index
      %swap3A_40 = tpu.vector_load %arg8[%swap3A, %swap3A_39] {strides = array<i32>} : memref<128x128xf32, #tpu.memory_space<vmem>>, vector<1x16xf32>,
      %swap3A_41 = vector.shape_cast %swap3A_40 : vector<1x16xf32> to vector<16xf32>
      %swap3A_42 = vector.shape_cast %broadcast_in_dim3A_38 : vector<16xf32> to vector<1x16xf32>
      tpu.vector_store %arg8[%swap3A, %swap3A_39], %swap3A_42 {strides = array<i32>} : memref<128x128xf32, #tpu.memory_space<vmem>>, vector<1x16xf32>,
      %broadcast_in_dim3A_43 = arith.constant 0.000000e+00 : f32
      %broadcast_in_dim3A_44 = vector.broadcast %broadcast_in_dim3A_43 : f32 to vector<16xf32>
      %swap3A_45 = arith.index_cast %scan3A_37 : i32 to index
      %swap3A_46 = arith.constant 16 : index
      %swap3A_47 = tpu.vector_load %arg8[%swap3A_45, %swap3A_46] {strides = array<i32>} : memref<128x128xf32, #tpu.memory_space<vmem>>, vector<1x16xf32>,
      %swap3A_48 = vector.shape_cast %swap3A_47 : vector<1x16xf32> to vector<16xf32>
      %swap3A_49 = vector.shape_cast %broadcast_in_dim3A_44 : vector<16xf32> to vector<1x16xf32>
      tpu.vector_store %arg8[%swap3A_45, %swap3A_46], %swap3A_49 {strides = array<i32>} : memref<128x128xf32, #tpu.memory_space<vmem>>, vector<1x16xf32>,
      %broadcast_in_dim3A_50 = arith.constant 0.000000e+00 : f32
      %broadcast_in_dim3A_51 = vector.broadcast %broadcast_in_dim3A_50 : f32 to vector<16xf32>
      %swap3A_52 = arith.index_cast %scan3A_37 : i32 to index
      %swap3A_53 = arith.constant 32 : index
      %swap3A_54 = tpu.vector_load %arg8[%swap3A_52, %swap3A_53] {strides = array<i32>} : memref<128x128xf32, #tpu.memory_space<vmem>>, vector<1x16xf32>,
      %swap3A_55 = vector.shape_cast %swap3A_54 : vector<1x16xf32> to vector<16xf32>
      %swap3A_56 = vector.shape_cast %broadcast_in_dim3A_51 : vector<16xf32> to vector<1x16xf32>
      tpu.vector_store %arg8[%swap3A_52, %swap3A_53], %swap3A_56 {strides = array<i32>} : memref<128x128xf32, #tpu.memory_space<vmem>>, vector<1x16xf32>,
      %broadcast_in_dim3A_57 = arith.constant 0.000000e+00 : f32
      %broadcast_in_dim3A_58 = vector.broadcast %broadcast_in_dim3A_57 : f32 to vector<16xf32>
      %swap3A_59 = arith.index_cast %scan3A_37 : i32 to index
      %swap3A_60 = arith.constant 48 : index
      %swap3A_61 = tpu.vector_load %arg8[%swap3A_59, %swap3A_60] {strides = array<i32>} : memref<128x128xf32, #tpu.memory_space<vmem>>, vector<1x16xf32>,
      %swap3A_62 = vector.shape_cast %swap3A_61 : vector<1x16xf32> to vector<16xf32>
      %swap3A_63 = vector.shape_cast %broadcast_in_dim3A_58 : vector<16xf32> to vector<1x16xf32>
      tpu.vector_store %arg8[%swap3A_59, %swap3A_60], %swap3A_63 {strides = array<i32>} : memref<128x128xf32, #tpu.memory_space<vmem>>, vector<1x16xf32>,
      %broadcast_in_dim3A_64 = arith.constant 0.000000e+00 : f32
      %broadcast_in_dim3A_65 = vector.broadcast %broadcast_in_dim3A_64 : f32 to vector<16xf32>
      %swap3A_66 = arith.index_cast %scan3A_37 : i32 to index
      %swap3A_67 = arith.constant 64 : index
      %swap3A_68 = tpu.vector_load %arg8[%swap3A_66, %swap3A_67] {strides = array<i32>} : memref<128x128xf32, #tpu.memory_space<vmem>>, vector<1x16xf32>,
      %swap3A_69 = vector.shape_cast %swap3A_68 : vector<1x16xf32> to vector<16xf32>
      %swap3A_70 = vector.shape_cast %broadcast_in_dim3A_65 : vector<16xf32> to vector<1x16xf32>
      tpu.vector_store %arg8[%swap3A_66, %swap3A_67], %swap3A_70 {strides = array<i32>} : memref<128x128xf32, #tpu.memory_space<vmem>>, vector<1x16xf32>,
      %broadcast_in_dim3A_71 = arith.constant 0.000000e+00 : f32
      %broadcast_in_dim3A_72 = vector.broadcast %broadcast_in_dim3A_71 : f32 to vector<16xf32>
      %swap3A_73 = arith.index_cast %scan3A_37 : i32 to index
      %swap3A_74 = arith.constant 80 : index
      %swap3A_75 = tpu.vector_load %arg8[%swap3A_73, %swap3A_74] {strides = array<i32>} : memref<128x128xf32, #tpu.memory_space<vmem>>, vector<1x16xf32>,
      %swap3A_76 = vector.shape_cast %swap3A_75 : vector<1x16xf32> to vector<16xf32>
      %swap3A_77 = vector.shape_cast %broadcast_in_dim3A_72 : vector<16xf32> to vector<1x16xf32>
      tpu.vector_store %arg8[%swap3A_73, %swap3A_74], %swap3A_77 {strides = array<i32>} : memref<128x128xf32, #tpu.memory_space<vmem>>, vector<1x16xf32>,
      %broadcast_in_dim3A_78 = arith.constant 0.000000e+00 : f32
      %broadcast_in_dim3A_79 = vector.broadcast %broadcast_in_dim3A_78 : f32 to vector<16xf32>
      %swap3A_80 = arith.index_cast %scan3A_37 : i32 to index
      %swap3A_81 = arith.constant 96 : index
      %swap3A_82 = tpu.vector_load %arg8[%swap3A_80, %swap3A_81] {strides = array<i32>} : memref<128x128xf32, #tpu.memory_space<vmem>>, vector<1x16xf32>,
      %swap3A_83 = vector.shape_cast %swap3A_82 : vector<1x16xf32> to vector<16xf32>
      %swap3A_84 = vector.shape_cast %broadcast_in_dim3A_79 : vector<16xf32> to vector<1x16xf32>
      tpu.vector_store %arg8[%swap3A_80, %swap3A_81], %swap3A_84 {strides = array<i32>} : memref<128x128xf32, #tpu.memory_space<vmem>>, vector<1x16xf32>,
      %broadcast_in_dim3A_85 = arith.constant 0.000000e+00 : f32
      %broadcast_in_dim3A_86 = vector.broadcast %broadcast_in_dim3A_85 : f32 to vector<16xf32>
      %swap3A_87 = arith.index_cast %scan3A_37 : i32 to index
      %swap3A_88 = arith.constant 112 : index
      %swap3A_89 = tpu.vector_load %arg8[%swap3A_87, %swap3A_88] {strides = array<i32>} : memref<128x128xf32, #tpu.memory_space<vmem>>, vector<1x16xf32>,
      %swap3A_90 = vector.shape_cast %swap3A_89 : vector<1x16xf32> to vector<16xf32>
      %swap3A_91 = vector.shape_cast %broadcast_in_dim3A_86 : vector<16xf32> to vector<1x16xf32>
      tpu.vector_store %arg8[%swap3A_87, %swap3A_88], %swap3A_91 {strides = array<i32>} : memref<128x128xf32, #tpu.memory_space<vmem>>, vector<1x16xf32>,
    }
    %scan3A_4 = arith.constant 128 : i32
    %mul3A = arith.constant 640 : i32
    %mul3A_5 = arith.muli %arg1, %mul3A : i32
    %add3A = arith.constant 0 : i32
    %add3A_6 = arith.addi %mul3A_5, %add3A : i32
    "tpu.region"() ({
      %run_scoped3A = tpu.sem_alloc : memref<!tpu.dma_semaphore, #tpu.memory_space<semaphore_mem>>
      %dma_start3A = arith.constant 0 : i32
      %dma_start3A_37 = tpu.memref_slice %arg9[%add3A_6, %dma_start3A] : memref<10240x128xf32, #tpu.memory_space<vmem_shared>> -> memref<128x128xf32, #tpu.memory_space<vmem_shared>>
      %dma_start3A_38 = arith.constant 0 : i32
      %dma_start3A_39 = tpu.memref_slice %arg9[%add3A_6, %dma_start3A_38] : memref<10240x128xf32, #tpu.memory_space<vmem_shared>> -> memref<128x128xf32, #tpu.memory_space<vmem_shared>>
      tpu.enqueue_dma source(%arg8 : memref<128x128xf32, #tpu.memory_space<vmem>>) target(%dma_start3A_39 : memref<128x128xf32, #tpu.memory_space<vmem_shared>>) target_semaphore(%run_scoped3A : memref<!tpu.dma_semaphore, #tpu.memory_space<semaphore_mem>>)
      %dma_wait3A = arith.constant 0 : i32
      %dma_wait3A_40 = tpu.memref_slice %arg9[%add3A_6, %dma_wait3A] : memref<10240x128xf32, #tpu.memory_space<vmem_shared>> -> memref<128x128xf32, #tpu.memory_space<vmem_shared>>
      %dma_wait3A_41 = arith.constant 0 : i32
      %dma_wait3A_42 = tpu.memref_slice %arg9[%add3A_6, %dma_wait3A_41] : memref<10240x128xf32, #tpu.memory_space<vmem_shared>> -> memref<128x128xf32, #tpu.memory_space<vmem_shared>>
      tpu.wait_dma2 semaphore(%run_scoped3A : memref<!tpu.dma_semaphore, #tpu.memory_space<semaphore_mem>>) src(%arg8 : memref<128x128xf32, #tpu.memory_space<vmem>>) dst(%dma_wait3A_42 : memref<128x128xf32, #tpu.memory_space<vmem_shared>>)
      tpu.yield
    }) : () -> ()
    %mul3A_7 = arith.constant 640 : i32
    %mul3A_8 = arith.muli %arg1, %mul3A_7 : i32
    %add3A_9 = arith.constant 128 : i32
    %add3A_10 = arith.addi %mul3A_8, %add3A_9 : i32
    "tpu.region"() ({
      %run_scoped3A = tpu.sem_alloc : memref<!tpu.dma_semaphore, #tpu.memory_space<semaphore_mem>>
      %dma_start3A = arith.constant 0 : i32
      %dma_start3A_37 = tpu.memref_slice %arg9[%add3A_10, %dma_start3A] : memref<10240x128xf32, #tpu.memory_space<vmem_shared>> -> memref<128x128xf32, #tpu.memory_space<vmem_shared>>
      %dma_start3A_38 = arith.constant 0 : i32
      %dma_start3A_39 = tpu.memref_slice %arg9[%add3A_10, %dma_start3A_38] : memref<10240x128xf32, #tpu.memory_space<vmem_shared>> -> memref<128x128xf32, #tpu.memory_space<vmem_shared>>
      tpu.enqueue_dma source(%arg8 : memref<128x128xf32, #tpu.memory_space<vmem>>) target(%dma_start3A_39 : memref<128x128xf32, #tpu.memory_space<vmem_shared>>) target_semaphore(%run_scoped3A : memref<!tpu.dma_semaphore, #tpu.memory_space<semaphore_mem>>)
      %dma_wait3A = arith.constant 0 : i32
      %dma_wait3A_40 = tpu.memref_slice %arg9[%add3A_10, %dma_wait3A] : memref<10240x128xf32, #tpu.memory_space<vmem_shared>> -> memref<128x128xf32, #tpu.memory_space<vmem_shared>>
      %dma_wait3A_41 = arith.constant 0 : i32
      %dma_wait3A_42 = tpu.memref_slice %arg9[%add3A_10, %dma_wait3A_41] : memref<10240x128xf32, #tpu.memory_space<vmem_shared>> -> memref<128x128xf32, #tpu.memory_space<vmem_shared>>
      tpu.wait_dma2 semaphore(%run_scoped3A : memref<!tpu.dma_semaphore, #tpu.memory_space<semaphore_mem>>) src(%arg8 : memref<128x128xf32, #tpu.memory_space<vmem>>) dst(%dma_wait3A_42 : memref<128x128xf32, #tpu.memory_space<vmem_shared>>)
      tpu.yield
    }) : () -> ()
    %mul3A_11 = arith.constant 640 : i32
    %mul3A_12 = arith.muli %arg1, %mul3A_11 : i32
    %add3A_13 = arith.constant 256 : i32
    %add3A_14 = arith.addi %mul3A_12, %add3A_13 : i32
    "tpu.region"() ({
      %run_scoped3A = tpu.sem_alloc : memref<!tpu.dma_semaphore, #tpu.memory_space<semaphore_mem>>
      %dma_start3A = arith.constant 0 : i32
      %dma_start3A_37 = tpu.memref_slice %arg9[%add3A_14, %dma_start3A] : memref<10240x128xf32, #tpu.memory_space<vmem_shared>> -> memref<128x128xf32, #tpu.memory_space<vmem_shared>>
      %dma_start3A_38 = arith.constant 0 : i32
      %dma_start3A_39 = tpu.memref_slice %arg9[%add3A_14, %dma_start3A_38] : memref<10240x128xf32, #tpu.memory_space<vmem_shared>> -> memref<128x128xf32, #tpu.memory_space<vmem_shared>>
      tpu.enqueue_dma source(%arg8 : memref<128x128xf32, #tpu.memory_space<vmem>>) target(%dma_start3A_39 : memref<128x128xf32, #tpu.memory_space<vmem_shared>>) target_semaphore(%run_scoped3A : memref<!tpu.dma_semaphore, #tpu.memory_space<semaphore_mem>>)
      %dma_wait3A = arith.constant 0 : i32
      %dma_wait3A_40 = tpu.memref_slice %arg9[%add3A_14, %dma_wait3A] : memref<10240x128xf32, #tpu.memory_space<vmem_shared>> -> memref<128x128xf32, #tpu.memory_space<vmem_shared>>
      %dma_wait3A_41 = arith.constant 0 : i32
      %dma_wait3A_42 = tpu.memref_slice %arg9[%add3A_14, %dma_wait3A_41] : memref<10240x128xf32, #tpu.memory_space<vmem_shared>> -> memref<128x128xf32, #tpu.memory_space<vmem_shared>>
      tpu.wait_dma2 semaphore(%run_scoped3A : memref<!tpu.dma_semaphore, #tpu.memory_space<semaphore_mem>>) src(%arg8 : memref<128x128xf32, #tpu.memory_space<vmem>>) dst(%dma_wait3A_42 : memref<128x128xf32, #tpu.memory_space<vmem_shared>>)
      tpu.yield
    }) : () -> ()
    %mul3A_15 = arith.constant 640 : i32
    %mul3A_16 = arith.muli %arg1, %mul3A_15 : i32
    %add3A_17 = arith.constant 384 : i32
    %add3A_18 = arith.addi %mul3A_16, %add3A_17 : i32
    "tpu.region"() ({
      %run_scoped3A = tpu.sem_alloc : memref<!tpu.dma_semaphore, #tpu.memory_space<semaphore_mem>>
      %dma_start3A = arith.constant 0 : i32
      %dma_start3A_37 = tpu.memref_slice %arg9[%add3A_18, %dma_start3A] : memref<10240x128xf32, #tpu.memory_space<vmem_shared>> -> memref<128x128xf32, #tpu.memory_space<vmem_shared>>
      %dma_start3A_38 = arith.constant 0 : i32
      %dma_start3A_39 = tpu.memref_slice %arg9[%add3A_18, %dma_start3A_38] : memref<10240x128xf32, #tpu.memory_space<vmem_shared>> -> memref<128x128xf32, #tpu.memory_space<vmem_shared>>
      tpu.enqueue_dma source(%arg8 : memref<128x128xf32, #tpu.memory_space<vmem>>) target(%dma_start3A_39 : memref<128x128xf32, #tpu.memory_space<vmem_shared>>) target_semaphore(%run_scoped3A : memref<!tpu.dma_semaphore, #tpu.memory_space<semaphore_mem>>)
      %dma_wait3A = arith.constant 0 : i32
      %dma_wait3A_40 = tpu.memref_slice %arg9[%add3A_18, %dma_wait3A] : memref<10240x128xf32, #tpu.memory_space<vmem_shared>> -> memref<128x128xf32, #tpu.memory_space<vmem_shared>>
      %dma_wait3A_41 = arith.constant 0 : i32
      %dma_wait3A_42 = tpu.memref_slice %arg9[%add3A_18, %dma_wait3A_41] : memref<10240x128xf32, #tpu.memory_space<vmem_shared>> -> memref<128x128xf32, #tpu.memory_space<vmem_shared>>
      tpu.wait_dma2 semaphore(%run_scoped3A : memref<!tpu.dma_semaphore, #tpu.memory_space<semaphore_mem>>) src(%arg8 : memref<128x128xf32, #tpu.memory_space<vmem>>) dst(%dma_wait3A_42 : memref<128x128xf32, #tpu.memory_space<vmem_shared>>)
      tpu.yield
    }) : () -> ()
    %mul3A_19 = arith.constant 640 : i32
    %mul3A_20 = arith.muli %arg1, %mul3A_19 : i32
    %add3A_21 = arith.constant 512 : i32
    %add3A_22 = arith.addi %mul3A_20, %add3A_21 : i32
    "tpu.region"() ({
      %run_scoped3A = tpu.sem_alloc : memref<!tpu.dma_semaphore, #tpu.memory_space<semaphore_mem>>
      %dma_start3A = arith.constant 0 : i32
      %dma_start3A_37 = tpu.memref_slice %arg9[%add3A_22, %dma_start3A] : memref<10240x128xf32, #tpu.memory_space<vmem_shared>> -> memref<128x128xf32, #tpu.memory_space<vmem_shared>>
      %dma_start3A_38 = arith.constant 0 : i32
      %dma_start3A_39 = tpu.memref_slice %arg9[%add3A_22, %dma_start3A_38] : memref<10240x128xf32, #tpu.memory_space<vmem_shared>> -> memref<128x128xf32, #tpu.memory_space<vmem_shared>>
      tpu.enqueue_dma source(%arg8 : memref<128x128xf32, #tpu.memory_space<vmem>>) target(%dma_start3A_39 : memref<128x128xf32, #tpu.memory_space<vmem_shared>>) target_semaphore(%run_scoped3A : memref<!tpu.dma_semaphore, #tpu.memory_space<semaphore_mem>>)
      %dma_wait3A = arith.constant 0 : i32
      %dma_wait3A_40 = tpu.memref_slice %arg9[%add3A_22, %dma_wait3A] : memref<10240x128xf32, #tpu.memory_space<vmem_shared>> -> memref<128x128xf32, #tpu.memory_space<vmem_shared>>
      %dma_wait3A_41 = arith.constant 0 : i32
      %dma_wait3A_42 = tpu.memref_slice %arg9[%add3A_22, %dma_wait3A_41] : memref<10240x128xf32, #tpu.memory_space<vmem_shared>> -> memref<128x128xf32, #tpu.memory_space<vmem_shared>>
      tpu.wait_dma2 semaphore(%run_scoped3A : memref<!tpu.dma_semaphore, #tpu.memory_space<semaphore_mem>>) src(%arg8 : memref<128x128xf32, #tpu.memory_space<vmem>>) dst(%dma_wait3A_42 : memref<128x128xf32, #tpu.memory_space<vmem_shared>>)
      tpu.yield
    }) : () -> ()
    %barrier3A = arith.constant 0 : index
    tpu.barrier barrier_id(%barrier3A)
    %mul3A_23 = arith.constant 16 : i32
    %mul3A_24 = arith.muli %arg0, %mul3A_23 : i32
    %add3A_25 = arith.addi %mul3A_24, %arg1 : i32
    %mul3A_26 = arith.constant 10112 : i32
    %mul3A_27 = arith.muli %add3A_25, %mul3A_26 : i32
    %scan3A_28 = arith.constant 0 : i32
    %scan3A_29 = arith.constant 0 : i32
    %scan3A_30 = arith.constant 79 : i32
    %scan3A_31 = arith.addi %scan3A_29, %scan3A_30 : i32
    %scan3A_32 = arith.constant 1 : i32
    scf.for %scan3A_37 = %scan3A_29 to %scan3A_31 step %scan3A_32  : i32 {
      %mul3A_38 = arith.constant 128 : i32
      %mul3A_39 = arith.muli %scan3A_37, %mul3A_38 : i32
      %add3A_40 = arith.addi %mul3A_27, %mul3A_39 : i32
      %multiple_of3A = tpu.assume_multiple %add3A_40, 8 : i32
      "tpu.region"() ({
        %run_scoped3A = tpu.sem_alloc : memref<!tpu.dma_semaphore, #tpu.memory_space<semaphore_mem>>
        %dma_start3A_45 = tpu.memref_slice %arg3[%multiple_of3A] : memref<323584xi32, #tpu.memory_space<hbm>> -> memref<128xi32, #tpu.memory_space<hbm>>
        %dma_start3A_46 = tpu.memref_slice %arg3[%multiple_of3A] : memref<323584xi32, #tpu.memory_space<hbm>> -> memref<128xi32, #tpu.memory_space<hbm>>
        tpu.enqueue_dma source(%dma_start3A_46 : memref<128xi32, #tpu.memory_space<hbm>>) target(%arg6 : memref<128xi32, #tpu.memory_space<vmem>>) target_semaphore(%run_scoped3A : memref<!tpu.dma_semaphore, #tpu.memory_space<semaphore_mem>>)
        %dma_wait3A_47 = tpu.memref_slice %arg3[%multiple_of3A] : memref<323584xi32, #tpu.memory_space<hbm>> -> memref<128xi32, #tpu.memory_space<hbm>>
        %dma_wait3A_48 = tpu.memref_slice %arg3[%multiple_of3A] : memref<323584xi32, #tpu.memory_space<hbm>> -> memref<128xi32, #tpu.memory_space<hbm>>
        tpu.wait_dma2 semaphore(%run_scoped3A : memref<!tpu.dma_semaphore, #tpu.memory_space<semaphore_mem>>) src(%dma_wait3A_48 : memref<128xi32, #tpu.memory_space<hbm>>) dst(%arg6 : memref<128xi32, #tpu.memory_space<vmem>>)
        tpu.yield
      }) : () -> ()
      "tpu.region"() ({
        %run_scoped3A = tpu.sem_alloc : memref<!tpu.dma_semaphore, #tpu.memory_space<semaphore_mem>>
        %dma_start3A_45 = tpu.memref_slice %arg4[%multiple_of3A] : memref<323584xi32, #tpu.memory_space<hbm>> -> memref<128xi32, #tpu.memory_space<hbm>>
        %dma_start3A_46 = tpu.memref_slice %arg4[%multiple_of3A] : memref<323584xi32, #tpu.memory_space<hbm>> -> memref<128xi32, #tpu.memory_space<hbm>>
        tpu.enqueue_dma source(%dma_start3A_46 : memref<128xi32, #tpu.memory_space<hbm>>) target(%arg7 : memref<128xi32, #tpu.memory_space<vmem>>) target_semaphore(%run_scoped3A : memref<!tpu.dma_semaphore, #tpu.memory_space<semaphore_mem>>)
        %dma_wait3A_47 = tpu.memref_slice %arg4[%multiple_of3A] : memref<323584xi32, #tpu.memory_space<hbm>> -> memref<128xi32, #tpu.memory_space<hbm>>
        %dma_wait3A_48 = tpu.memref_slice %arg4[%multiple_of3A] : memref<323584xi32, #tpu.memory_space<hbm>> -> memref<128xi32, #tpu.memory_space<hbm>>
        tpu.wait_dma2 semaphore(%run_scoped3A : memref<!tpu.dma_semaphore, #tpu.memory_space<semaphore_mem>>) src(%dma_wait3A_48 : memref<128xi32, #tpu.memory_space<hbm>>) dst(%arg7 : memref<128xi32, #tpu.memory_space<vmem>>)
        tpu.yield
      }) : () -> ()
      %dma_start3A = arith.constant 0 : i32
      %dma_start3A_41 = arith.constant 0 : i32
      %dma_start3A_42 = tpu.memref_slice %arg2[%dma_start3A, %dma_start3A_41] : memref<10000x128xf32, #tpu.memory_space<hbm>> -> memref<10000x128xf32, #tpu.memory_space<hbm>>
      tpu.enqueue_indirect_dma source(%dma_start3A_42 : memref<10000x128xf32, #tpu.memory_space<hbm>>) target(%arg8 : memref<128x128xf32, #tpu.memory_space<vmem>>) offsets(%arg6 : memref<128xi32, #tpu.memory_space<vmem>>) semaphore(%arg10 : memref<!tpu.dma_semaphore, #tpu.memory_space<semaphore_mem>>)
      %dma_wait3A = arith.constant 0 : i32
      %dma_wait3A_43 = arith.constant 0 : i32
      %dma_wait3A_44 = tpu.memref_slice %arg2[%dma_wait3A, %dma_wait3A_43] : memref<10000x128xf32, #tpu.memory_space<hbm>> -> memref<10000x128xf32, #tpu.memory_space<hbm>>
      tpu.wait_indirect_dma semaphore(%arg10 : memref<!tpu.dma_semaphore, #tpu.memory_space<semaphore_mem>>) src(%dma_wait3A_44 : memref<10000x128xf32, #tpu.memory_space<hbm>>) dst(%arg8 : memref<128x128xf32, #tpu.memory_space<vmem>>)
      "tpu.region"() ({
        %run_scoped3A = tpu.sem_alloc : memref<!tpu.dma_semaphore, #tpu.memory_space<semaphore_mem>>
        %dma_start3A_45 = arith.constant 0 : i32
        %dma_start3A_46 = arith.constant 0 : i32
        %dma_start3A_47 = tpu.memref_slice %arg9[%dma_start3A_45, %dma_start3A_46] : memref<10240x128xf32, #tpu.memory_space<vmem_shared>> -> memref<10240x128xf32, #tpu.memory_space<vmem_shared>>
        tpu.enqueue_indirect_dma source(%arg8 : memref<128x128xf32, #tpu.memory_space<vmem>>) target(%dma_start3A_47 : memref<10240x128xf32, #tpu.memory_space<vmem_shared>>) offsets(%arg7 : memref<128xi32, #tpu.memory_space<vmem>>) semaphore(%run_scoped3A : memref<!tpu.dma_semaphore, #tpu.memory_space<semaphore_mem>>) {add = true}
        %dma_wait3A_48 = arith.constant 0 : i32
        %dma_wait3A_49 = arith.constant 0 : i32
        %dma_wait3A_50 = tpu.memref_slice %arg9[%dma_wait3A_48, %dma_wait3A_49] : memref<10240x128xf32, #tpu.memory_space<vmem_shared>> -> memref<10240x128xf32, #tpu.memory_space<vmem_shared>>
        tpu.wait_indirect_dma semaphore(%run_scoped3A : memref<!tpu.dma_semaphore, #tpu.memory_space<semaphore_mem>>) src(%arg8 : memref<128x128xf32, #tpu.memory_space<vmem>>) dst(%dma_wait3A_50 : memref<10240x128xf32, #tpu.memory_space<vmem_shared>>)
        tpu.yield
      }) : () -> ()
    }
    %scan3A_33 = arith.constant 79 : i32
    %barrier3A_34 = arith.constant 0 : index
    tpu.barrier barrier_id(%barrier3A_34)
    %mul3A_35 = arith.constant 640 : i32
    %mul3A_36 = arith.muli %arg1, %mul3A_35 : i32
    "tpu.region"() ({
      %run_scoped3A = tpu.sem_alloc : memref<!tpu.dma_semaphore, #tpu.memory_space<semaphore_mem>>
      %dma_start3A = arith.constant 0 : i32
      %dma_start3A_37 = tpu.memref_slice %arg5[%arg0, %mul3A_36, %dma_start3A] : memref<2x10240x128xf32, #tpu.memory_space<hbm>> -> memref<1x640x128xf32, #tpu.memory_space<hbm>>
      %dma_start3A_38 = tpu.memref_squeeze %dma_start3A_37 : memref<1x640x128xf32, #tpu.memory_space<hbm>> -> memref<640x128xf32, #tpu.memory_space<hbm>>
      %dma_start3A_39 = arith.constant 0 : i32
      %dma_start3A_40 = tpu.memref_slice %arg9[%mul3A_36, %dma_start3A_39] : memref<10240x128xf32, #tpu.memory_space<vmem_shared>> -> memref<640x128xf32, #tpu.memory_space<vmem_shared>>
      tpu.enqueue_dma source(%dma_start3A_40 : memref<640x128xf32, #tpu.memory_space<vmem_shared>>) target(%dma_start3A_38 : memref<640x128xf32, #tpu.memory_space<hbm>>) target_semaphore(%run_scoped3A : memref<!tpu.dma_semaphore, #tpu.memory_space<semaphore_mem>>)
      %dma_wait3A = arith.constant 0 : i32
      %dma_wait3A_41 = tpu.memref_slice %arg5[%arg0, %mul3A_36, %dma_wait3A] : memref<2x10240x128xf32, #tpu.memory_space<hbm>> -> memref<1x640x128xf32, #tpu.memory_space<hbm>>
      %dma_wait3A_42 = tpu.memref_squeeze %dma_wait3A_41 : memref<1x640x128xf32, #tpu.memory_space<hbm>> -> memref<640x128xf32, #tpu.memory_space<hbm>>
      %dma_wait3A_43 = arith.constant 0 : i32
      %dma_wait3A_44 = tpu.memref_slice %arg9[%mul3A_36, %dma_wait3A_43] : memref<10240x128xf32, #tpu.memory_space<vmem_shared>> -> memref<640x128xf32, #tpu.memory_space<vmem_shared>>
      tpu.wait_dma2 semaphore(%run_scoped3A : memref<!tpu.dma_semaphore, #tpu.memory_space<semaphore_mem>>) src(%dma_wait3A_44 : memref<640x128xf32, #tpu.memory_space<vmem_shared>>) dst(%dma_wait3A_42 : memref<640x128xf32, #tpu.memory_space<hbm>>)
      tpu.yield
    }) : () -> ()
    return
  }
}

#map = affine_map<(d0, d1) -> (0, 0)>
#map1 = affine_map<(d0, d1) -> (0)>
#map2 = affine_map<(d0, d1) -> (0, 0, 0)>
module attributes {stable_mosaic.version = 14 : i64} {
  func.func @_agg_body(%arg0: i32, %arg1: i32, %arg2: memref<10000x128xf32, #tpu.memory_space<hbm>>, %arg3: memref<323584xi32, #tpu.memory_space<hbm>>, %arg4: memref<323584xi32, #tpu.memory_space<hbm>>, %arg5: memref<2x10240x128xf32, #tpu.memory_space<hbm>>, %arg6: memref<128xi32, #tpu.memory_space<vmem>>, %arg7: memref<128xi32, #tpu.memory_space<vmem>>, %arg8: memref<128x128xf32, #tpu.memory_space<vmem>>, %arg9: memref<10240x128xf32, #tpu.memory_space<vmem_shared>>, %arg10: memref<!tpu.dma_semaphore, #tpu.memory_space<semaphore_mem>>) attributes {dimension_semantics = [#tpu.dimension_semantics<core_parallel>, #tpu.dimension_semantics<subcore_parallel>], iteration_bounds = array<i64: 2, 16>, scalar_prefetch = 0 : i64, scratch_operands = 5 : i64, tpu.core_type = #tpu.core_type<sc_vector_subcore>, window_params = [{transform_indices = #map}, {transform_indices = #map1}, {transform_indices = #map1}, {transform_indices = #map2}]} {
    %scan3A = arith.constant 0 : i32
    %scan3A_0 = arith.constant 0 : i32
    %scan3A_1 = arith.constant 128 : i32
    %scan3A_2 = arith.addi %scan3A_0, %scan3A_1 : i32
    %scan3A_3 = arith.constant 1 : i32
    scf.for %scan3A_37 = %scan3A_0 to %scan3A_2 step %scan3A_3  : i32 {
      %broadcast_in_dim3A = arith.constant 0.000000e+00 : f32
      %broadcast_in_dim3A_38 = vector.broadcast %broadcast_in_dim3A : f32 to vector<16xf32>
      %swap3A = arith.index_cast %scan3A_37 : i32 to index
      %swap3A_39 = arith.constant 0 : index
      %swap3A_40 = tpu.vector_load %arg8[%swap3A, %swap3A_39] {strides = array<i32>} : memref<128x128xf32, #tpu.memory_space<vmem>>, vector<1x16xf32>,
      %swap3A_41 = vector.shape_cast %swap3A_40 : vector<1x16xf32> to vector<16xf32>
      %swap3A_42 = vector.shape_cast %broadcast_in_dim3A_38 : vector<16xf32> to vector<1x16xf32>
      tpu.vector_store %arg8[%swap3A, %swap3A_39], %swap3A_42 {strides = array<i32>} : memref<128x128xf32, #tpu.memory_space<vmem>>, vector<1x16xf32>,
      %broadcast_in_dim3A_43 = arith.constant 0.000000e+00 : f32
      %broadcast_in_dim3A_44 = vector.broadcast %broadcast_in_dim3A_43 : f32 to vector<16xf32>
      %swap3A_45 = arith.index_cast %scan3A_37 : i32 to index
      %swap3A_46 = arith.constant 16 : index
      %swap3A_47 = tpu.vector_load %arg8[%swap3A_45, %swap3A_46] {strides = array<i32>} : memref<128x128xf32, #tpu.memory_space<vmem>>, vector<1x16xf32>,
      %swap3A_48 = vector.shape_cast %swap3A_47 : vector<1x16xf32> to vector<16xf32>
      %swap3A_49 = vector.shape_cast %broadcast_in_dim3A_44 : vector<16xf32> to vector<1x16xf32>
      tpu.vector_store %arg8[%swap3A_45, %swap3A_46], %swap3A_49 {strides = array<i32>} : memref<128x128xf32, #tpu.memory_space<vmem>>, vector<1x16xf32>,
      %broadcast_in_dim3A_50 = arith.constant 0.000000e+00 : f32
      %broadcast_in_dim3A_51 = vector.broadcast %broadcast_in_dim3A_50 : f32 to vector<16xf32>
      %swap3A_52 = arith.index_cast %scan3A_37 : i32 to index
      %swap3A_53 = arith.constant 32 : index
      %swap3A_54 = tpu.vector_load %arg8[%swap3A_52, %swap3A_53] {strides = array<i32>} : memref<128x128xf32, #tpu.memory_space<vmem>>, vector<1x16xf32>,
      %swap3A_55 = vector.shape_cast %swap3A_54 : vector<1x16xf32> to vector<16xf32>
      %swap3A_56 = vector.shape_cast %broadcast_in_dim3A_51 : vector<16xf32> to vector<1x16xf32>
      tpu.vector_store %arg8[%swap3A_52, %swap3A_53], %swap3A_56 {strides = array<i32>} : memref<128x128xf32, #tpu.memory_space<vmem>>, vector<1x16xf32>,
      %broadcast_in_dim3A_57 = arith.constant 0.000000e+00 : f32
      %broadcast_in_dim3A_58 = vector.broadcast %broadcast_in_dim3A_57 : f32 to vector<16xf32>
      %swap3A_59 = arith.index_cast %scan3A_37 : i32 to index
      %swap3A_60 = arith.constant 48 : index
      %swap3A_61 = tpu.vector_load %arg8[%swap3A_59, %swap3A_60] {strides = array<i32>} : memref<128x128xf32, #tpu.memory_space<vmem>>, vector<1x16xf32>,
      %swap3A_62 = vector.shape_cast %swap3A_61 : vector<1x16xf32> to vector<16xf32>
      %swap3A_63 = vector.shape_cast %broadcast_in_dim3A_58 : vector<16xf32> to vector<1x16xf32>
      tpu.vector_store %arg8[%swap3A_59, %swap3A_60], %swap3A_63 {strides = array<i32>} : memref<128x128xf32, #tpu.memory_space<vmem>>, vector<1x16xf32>,
      %broadcast_in_dim3A_64 = arith.constant 0.000000e+00 : f32
      %broadcast_in_dim3A_65 = vector.broadcast %broadcast_in_dim3A_64 : f32 to vector<16xf32>
      %swap3A_66 = arith.index_cast %scan3A_37 : i32 to index
      %swap3A_67 = arith.constant 64 : index
      %swap3A_68 = tpu.vector_load %arg8[%swap3A_66, %swap3A_67] {strides = array<i32>} : memref<128x128xf32, #tpu.memory_space<vmem>>, vector<1x16xf32>,
      %swap3A_69 = vector.shape_cast %swap3A_68 : vector<1x16xf32> to vector<16xf32>
      %swap3A_70 = vector.shape_cast %broadcast_in_dim3A_65 : vector<16xf32> to vector<1x16xf32>
      tpu.vector_store %arg8[%swap3A_66, %swap3A_67], %swap3A_70 {strides = array<i32>} : memref<128x128xf32, #tpu.memory_space<vmem>>, vector<1x16xf32>,
      %broadcast_in_dim3A_71 = arith.constant 0.000000e+00 : f32
      %broadcast_in_dim3A_72 = vector.broadcast %broadcast_in_dim3A_71 : f32 to vector<16xf32>
      %swap3A_73 = arith.index_cast %scan3A_37 : i32 to index
      %swap3A_74 = arith.constant 80 : index
      %swap3A_75 = tpu.vector_load %arg8[%swap3A_73, %swap3A_74] {strides = array<i32>} : memref<128x128xf32, #tpu.memory_space<vmem>>, vector<1x16xf32>,
      %swap3A_76 = vector.shape_cast %swap3A_75 : vector<1x16xf32> to vector<16xf32>
      %swap3A_77 = vector.shape_cast %broadcast_in_dim3A_72 : vector<16xf32> to vector<1x16xf32>
      tpu.vector_store %arg8[%swap3A_73, %swap3A_74], %swap3A_77 {strides = array<i32>} : memref<128x128xf32, #tpu.memory_space<vmem>>, vector<1x16xf32>,
      %broadcast_in_dim3A_78 = arith.constant 0.000000e+00 : f32
      %broadcast_in_dim3A_79 = vector.broadcast %broadcast_in_dim3A_78 : f32 to vector<16xf32>
      %swap3A_80 = arith.index_cast %scan3A_37 : i32 to index
      %swap3A_81 = arith.constant 96 : index
      %swap3A_82 = tpu.vector_load %arg8[%swap3A_80, %swap3A_81] {strides = array<i32>} : memref<128x128xf32, #tpu.memory_space<vmem>>, vector<1x16xf32>,
      %swap3A_83 = vector.shape_cast %swap3A_82 : vector<1x16xf32> to vector<16xf32>
      %swap3A_84 = vector.shape_cast %broadcast_in_dim3A_79 : vector<16xf32> to vector<1x16xf32>
      tpu.vector_store %arg8[%swap3A_80, %swap3A_81], %swap3A_84 {strides = array<i32>} : memref<128x128xf32, #tpu.memory_space<vmem>>, vector<1x16xf32>,
      %broadcast_in_dim3A_85 = arith.constant 0.000000e+00 : f32
      %broadcast_in_dim3A_86 = vector.broadcast %broadcast_in_dim3A_85 : f32 to vector<16xf32>
      %swap3A_87 = arith.index_cast %scan3A_37 : i32 to index
      %swap3A_88 = arith.constant 112 : index
      %swap3A_89 = tpu.vector_load %arg8[%swap3A_87, %swap3A_88] {strides = array<i32>} : memref<128x128xf32, #tpu.memory_space<vmem>>, vector<1x16xf32>,
      %swap3A_90 = vector.shape_cast %swap3A_89 : vector<1x16xf32> to vector<16xf32>
      %swap3A_91 = vector.shape_cast %broadcast_in_dim3A_86 : vector<16xf32> to vector<1x16xf32>
      tpu.vector_store %arg8[%swap3A_87, %swap3A_88], %swap3A_91 {strides = array<i32>} : memref<128x128xf32, #tpu.memory_space<vmem>>, vector<1x16xf32>,
    }
    %scan3A_4 = arith.constant 128 : i32
    %mul3A = arith.constant 640 : i32
    %mul3A_5 = arith.muli %arg1, %mul3A : i32
    %add3A = arith.constant 0 : i32
    %add3A_6 = arith.addi %mul3A_5, %add3A : i32
    "tpu.region"() ({
      %run_scoped3A = tpu.sem_alloc : memref<!tpu.dma_semaphore, #tpu.memory_space<semaphore_mem>>
      %dma_start3A = arith.constant 0 : i32
      %dma_start3A_37 = tpu.memref_slice %arg9[%add3A_6, %dma_start3A] : memref<10240x128xf32, #tpu.memory_space<vmem_shared>> -> memref<128x128xf32, #tpu.memory_space<vmem_shared>>
      %dma_start3A_38 = arith.constant 0 : i32
      %dma_start3A_39 = tpu.memref_slice %arg9[%add3A_6, %dma_start3A_38] : memref<10240x128xf32, #tpu.memory_space<vmem_shared>> -> memref<128x128xf32, #tpu.memory_space<vmem_shared>>
      tpu.enqueue_dma source(%arg8 : memref<128x128xf32, #tpu.memory_space<vmem>>) target(%dma_start3A_39 : memref<128x128xf32, #tpu.memory_space<vmem_shared>>) target_semaphore(%run_scoped3A : memref<!tpu.dma_semaphore, #tpu.memory_space<semaphore_mem>>)
      %dma_wait3A = arith.constant 0 : i32
      %dma_wait3A_40 = tpu.memref_slice %arg9[%add3A_6, %dma_wait3A] : memref<10240x128xf32, #tpu.memory_space<vmem_shared>> -> memref<128x128xf32, #tpu.memory_space<vmem_shared>>
      %dma_wait3A_41 = arith.constant 0 : i32
      %dma_wait3A_42 = tpu.memref_slice %arg9[%add3A_6, %dma_wait3A_41] : memref<10240x128xf32, #tpu.memory_space<vmem_shared>> -> memref<128x128xf32, #tpu.memory_space<vmem_shared>>
      tpu.wait_dma2 semaphore(%run_scoped3A : memref<!tpu.dma_semaphore, #tpu.memory_space<semaphore_mem>>) src(%arg8 : memref<128x128xf32, #tpu.memory_space<vmem>>) dst(%dma_wait3A_42 : memref<128x128xf32, #tpu.memory_space<vmem_shared>>)
      tpu.yield
    }) : () -> ()
    %mul3A_7 = arith.constant 640 : i32
    %mul3A_8 = arith.muli %arg1, %mul3A_7 : i32
    %add3A_9 = arith.constant 128 : i32
    %add3A_10 = arith.addi %mul3A_8, %add3A_9 : i32
    "tpu.region"() ({
      %run_scoped3A = tpu.sem_alloc : memref<!tpu.dma_semaphore, #tpu.memory_space<semaphore_mem>>
      %dma_start3A = arith.constant 0 : i32
      %dma_start3A_37 = tpu.memref_slice %arg9[%add3A_10, %dma_start3A] : memref<10240x128xf32, #tpu.memory_space<vmem_shared>> -> memref<128x128xf32, #tpu.memory_space<vmem_shared>>
      %dma_start3A_38 = arith.constant 0 : i32
      %dma_start3A_39 = tpu.memref_slice %arg9[%add3A_10, %dma_start3A_38] : memref<10240x128xf32, #tpu.memory_space<vmem_shared>> -> memref<128x128xf32, #tpu.memory_space<vmem_shared>>
      tpu.enqueue_dma source(%arg8 : memref<128x128xf32, #tpu.memory_space<vmem>>) target(%dma_start3A_39 : memref<128x128xf32, #tpu.memory_space<vmem_shared>>) target_semaphore(%run_scoped3A : memref<!tpu.dma_semaphore, #tpu.memory_space<semaphore_mem>>)
      %dma_wait3A = arith.constant 0 : i32
      %dma_wait3A_40 = tpu.memref_slice %arg9[%add3A_10, %dma_wait3A] : memref<10240x128xf32, #tpu.memory_space<vmem_shared>> -> memref<128x128xf32, #tpu.memory_space<vmem_shared>>
      %dma_wait3A_41 = arith.constant 0 : i32
      %dma_wait3A_42 = tpu.memref_slice %arg9[%add3A_10, %dma_wait3A_41] : memref<10240x128xf32, #tpu.memory_space<vmem_shared>> -> memref<128x128xf32, #tpu.memory_space<vmem_shared>>
      tpu.wait_dma2 semaphore(%run_scoped3A : memref<!tpu.dma_semaphore, #tpu.memory_space<semaphore_mem>>) src(%arg8 : memref<128x128xf32, #tpu.memory_space<vmem>>) dst(%dma_wait3A_42 : memref<128x128xf32, #tpu.memory_space<vmem_shared>>)
      tpu.yield
    }) : () -> ()
    %mul3A_11 = arith.constant 640 : i32
    %mul3A_12 = arith.muli %arg1, %mul3A_11 : i32
    %add3A_13 = arith.constant 256 : i32
    %add3A_14 = arith.addi %mul3A_12, %add3A_13 : i32
    "tpu.region"() ({
      %run_scoped3A = tpu.sem_alloc : memref<!tpu.dma_semaphore, #tpu.memory_space<semaphore_mem>>
      %dma_start3A = arith.constant 0 : i32
      %dma_start3A_37 = tpu.memref_slice %arg9[%add3A_14, %dma_start3A] : memref<10240x128xf32, #tpu.memory_space<vmem_shared>> -> memref<128x128xf32, #tpu.memory_space<vmem_shared>>
      %dma_start3A_38 = arith.constant 0 : i32
      %dma_start3A_39 = tpu.memref_slice %arg9[%add3A_14, %dma_start3A_38] : memref<10240x128xf32, #tpu.memory_space<vmem_shared>> -> memref<128x128xf32, #tpu.memory_space<vmem_shared>>
      tpu.enqueue_dma source(%arg8 : memref<128x128xf32, #tpu.memory_space<vmem>>) target(%dma_start3A_39 : memref<128x128xf32, #tpu.memory_space<vmem_shared>>) target_semaphore(%run_scoped3A : memref<!tpu.dma_semaphore, #tpu.memory_space<semaphore_mem>>)
      %dma_wait3A = arith.constant 0 : i32
      %dma_wait3A_40 = tpu.memref_slice %arg9[%add3A_14, %dma_wait3A] : memref<10240x128xf32, #tpu.memory_space<vmem_shared>> -> memref<128x128xf32, #tpu.memory_space<vmem_shared>>
      %dma_wait3A_41 = arith.constant 0 : i32
      %dma_wait3A_42 = tpu.memref_slice %arg9[%add3A_14, %dma_wait3A_41] : memref<10240x128xf32, #tpu.memory_space<vmem_shared>> -> memref<128x128xf32, #tpu.memory_space<vmem_shared>>
      tpu.wait_dma2 semaphore(%run_scoped3A : memref<!tpu.dma_semaphore, #tpu.memory_space<semaphore_mem>>) src(%arg8 : memref<128x128xf32, #tpu.memory_space<vmem>>) dst(%dma_wait3A_42 : memref<128x128xf32, #tpu.memory_space<vmem_shared>>)
      tpu.yield
    }) : () -> ()
    %mul3A_15 = arith.constant 640 : i32
    %mul3A_16 = arith.muli %arg1, %mul3A_15 : i32
    %add3A_17 = arith.constant 384 : i32
    %add3A_18 = arith.addi %mul3A_16, %add3A_17 : i32
    "tpu.region"() ({
      %run_scoped3A = tpu.sem_alloc : memref<!tpu.dma_semaphore, #tpu.memory_space<semaphore_mem>>
      %dma_start3A = arith.constant 0 : i32
      %dma_start3A_37 = tpu.memref_slice %arg9[%add3A_18, %dma_start3A] : memref<10240x128xf32, #tpu.memory_space<vmem_shared>> -> memref<128x128xf32, #tpu.memory_space<vmem_shared>>
      %dma_start3A_38 = arith.constant 0 : i32
      %dma_start3A_39 = tpu.memref_slice %arg9[%add3A_18, %dma_start3A_38] : memref<10240x128xf32, #tpu.memory_space<vmem_shared>> -> memref<128x128xf32, #tpu.memory_space<vmem_shared>>
      tpu.enqueue_dma source(%arg8 : memref<128x128xf32, #tpu.memory_space<vmem>>) target(%dma_start3A_39 : memref<128x128xf32, #tpu.memory_space<vmem_shared>>) target_semaphore(%run_scoped3A : memref<!tpu.dma_semaphore, #tpu.memory_space<semaphore_mem>>)
      %dma_wait3A = arith.constant 0 : i32
      %dma_wait3A_40 = tpu.memref_slice %arg9[%add3A_18, %dma_wait3A] : memref<10240x128xf32, #tpu.memory_space<vmem_shared>> -> memref<128x128xf32, #tpu.memory_space<vmem_shared>>
      %dma_wait3A_41 = arith.constant 0 : i32
      %dma_wait3A_42 = tpu.memref_slice %arg9[%add3A_18, %dma_wait3A_41] : memref<10240x128xf32, #tpu.memory_space<vmem_shared>> -> memref<128x128xf32, #tpu.memory_space<vmem_shared>>
      tpu.wait_dma2 semaphore(%run_scoped3A : memref<!tpu.dma_semaphore, #tpu.memory_space<semaphore_mem>>) src(%arg8 : memref<128x128xf32, #tpu.memory_space<vmem>>) dst(%dma_wait3A_42 : memref<128x128xf32, #tpu.memory_space<vmem_shared>>)
      tpu.yield
    }) : () -> ()
    %mul3A_19 = arith.constant 640 : i32
    %mul3A_20 = arith.muli %arg1, %mul3A_19 : i32
    %add3A_21 = arith.constant 512 : i32
    %add3A_22 = arith.addi %mul3A_20, %add3A_21 : i32
    "tpu.region"() ({
      %run_scoped3A = tpu.sem_alloc : memref<!tpu.dma_semaphore, #tpu.memory_space<semaphore_mem>>
      %dma_start3A = arith.constant 0 : i32
      %dma_start3A_37 = tpu.memref_slice %arg9[%add3A_22, %dma_start3A] : memref<10240x128xf32, #tpu.memory_space<vmem_shared>> -> memref<128x128xf32, #tpu.memory_space<vmem_shared>>
      %dma_start3A_38 = arith.constant 0 : i32
      %dma_start3A_39 = tpu.memref_slice %arg9[%add3A_22, %dma_start3A_38] : memref<10240x128xf32, #tpu.memory_space<vmem_shared>> -> memref<128x128xf32, #tpu.memory_space<vmem_shared>>
      tpu.enqueue_dma source(%arg8 : memref<128x128xf32, #tpu.memory_space<vmem>>) target(%dma_start3A_39 : memref<128x128xf32, #tpu.memory_space<vmem_shared>>) target_semaphore(%run_scoped3A : memref<!tpu.dma_semaphore, #tpu.memory_space<semaphore_mem>>)
      %dma_wait3A = arith.constant 0 : i32
      %dma_wait3A_40 = tpu.memref_slice %arg9[%add3A_22, %dma_wait3A] : memref<10240x128xf32, #tpu.memory_space<vmem_shared>> -> memref<128x128xf32, #tpu.memory_space<vmem_shared>>
      %dma_wait3A_41 = arith.constant 0 : i32
      %dma_wait3A_42 = tpu.memref_slice %arg9[%add3A_22, %dma_wait3A_41] : memref<10240x128xf32, #tpu.memory_space<vmem_shared>> -> memref<128x128xf32, #tpu.memory_space<vmem_shared>>
      tpu.wait_dma2 semaphore(%run_scoped3A : memref<!tpu.dma_semaphore, #tpu.memory_space<semaphore_mem>>) src(%arg8 : memref<128x128xf32, #tpu.memory_space<vmem>>) dst(%dma_wait3A_42 : memref<128x128xf32, #tpu.memory_space<vmem_shared>>)
      tpu.yield
    }) : () -> ()
    %barrier3A = arith.constant 0 : index
    tpu.barrier barrier_id(%barrier3A)
    %mul3A_23 = arith.constant 16 : i32
    %mul3A_24 = arith.muli %arg0, %mul3A_23 : i32
    %add3A_25 = arith.addi %mul3A_24, %arg1 : i32
    %mul3A_26 = arith.constant 10112 : i32
    %mul3A_27 = arith.muli %add3A_25, %mul3A_26 : i32
    %scan3A_28 = arith.constant 0 : i32
    %scan3A_29 = arith.constant 0 : i32
    %scan3A_30 = arith.constant 79 : i32
    %scan3A_31 = arith.addi %scan3A_29, %scan3A_30 : i32
    %scan3A_32 = arith.constant 1 : i32
    scf.for %scan3A_37 = %scan3A_29 to %scan3A_31 step %scan3A_32  : i32 {
      %mul3A_38 = arith.constant 128 : i32
      %mul3A_39 = arith.muli %scan3A_37, %mul3A_38 : i32
      %add3A_40 = arith.addi %mul3A_27, %mul3A_39 : i32
      %multiple_of3A = tpu.assume_multiple %add3A_40, 8 : i32
      "tpu.region"() ({
        %run_scoped3A = tpu.sem_alloc : memref<!tpu.dma_semaphore, #tpu.memory_space<semaphore_mem>>
        %dma_start3A_45 = tpu.memref_slice %arg3[%multiple_of3A] : memref<323584xi32, #tpu.memory_space<hbm>> -> memref<128xi32, #tpu.memory_space<hbm>>
        %dma_start3A_46 = tpu.memref_slice %arg3[%multiple_of3A] : memref<323584xi32, #tpu.memory_space<hbm>> -> memref<128xi32, #tpu.memory_space<hbm>>
        tpu.enqueue_dma source(%dma_start3A_46 : memref<128xi32, #tpu.memory_space<hbm>>) target(%arg6 : memref<128xi32, #tpu.memory_space<vmem>>) target_semaphore(%run_scoped3A : memref<!tpu.dma_semaphore, #tpu.memory_space<semaphore_mem>>)
        %dma_wait3A_47 = tpu.memref_slice %arg3[%multiple_of3A] : memref<323584xi32, #tpu.memory_space<hbm>> -> memref<128xi32, #tpu.memory_space<hbm>>
        %dma_wait3A_48 = tpu.memref_slice %arg3[%multiple_of3A] : memref<323584xi32, #tpu.memory_space<hbm>> -> memref<128xi32, #tpu.memory_space<hbm>>
        tpu.wait_dma2 semaphore(%run_scoped3A : memref<!tpu.dma_semaphore, #tpu.memory_space<semaphore_mem>>) src(%dma_wait3A_48 : memref<128xi32, #tpu.memory_space<hbm>>) dst(%arg6 : memref<128xi32, #tpu.memory_space<vmem>>)
        tpu.yield
      }) : () -> ()
      "tpu.region"() ({
        %run_scoped3A = tpu.sem_alloc : memref<!tpu.dma_semaphore, #tpu.memory_space<semaphore_mem>>
        %dma_start3A_45 = tpu.memref_slice %arg4[%multiple_of3A] : memref<323584xi32, #tpu.memory_space<hbm>> -> memref<128xi32, #tpu.memory_space<hbm>>
        %dma_start3A_46 = tpu.memref_slice %arg4[%multiple_of3A] : memref<323584xi32, #tpu.memory_space<hbm>> -> memref<128xi32, #tpu.memory_space<hbm>>
        tpu.enqueue_dma source(%dma_start3A_46 : memref<128xi32, #tpu.memory_space<hbm>>) target(%arg7 : memref<128xi32, #tpu.memory_space<vmem>>) target_semaphore(%run_scoped3A : memref<!tpu.dma_semaphore, #tpu.memory_space<semaphore_mem>>)
        %dma_wait3A_47 = tpu.memref_slice %arg4[%multiple_of3A] : memref<323584xi32, #tpu.memory_space<hbm>> -> memref<128xi32, #tpu.memory_space<hbm>>
        %dma_wait3A_48 = tpu.memref_slice %arg4[%multiple_of3A] : memref<323584xi32, #tpu.memory_space<hbm>> -> memref<128xi32, #tpu.memory_space<hbm>>
        tpu.wait_dma2 semaphore(%run_scoped3A : memref<!tpu.dma_semaphore, #tpu.memory_space<semaphore_mem>>) src(%dma_wait3A_48 : memref<128xi32, #tpu.memory_space<hbm>>) dst(%arg7 : memref<128xi32, #tpu.memory_space<vmem>>)
        tpu.yield
      }) : () -> ()
      %dma_start3A = arith.constant 0 : i32
      %dma_start3A_41 = arith.constant 0 : i32
      %dma_start3A_42 = tpu.memref_slice %arg2[%dma_start3A, %dma_start3A_41] : memref<10000x128xf32, #tpu.memory_space<hbm>> -> memref<10000x128xf32, #tpu.memory_space<hbm>>
      tpu.enqueue_indirect_dma source(%dma_start3A_42 : memref<10000x128xf32, #tpu.memory_space<hbm>>) target(%arg8 : memref<128x128xf32, #tpu.memory_space<vmem>>) offsets(%arg6 : memref<128xi32, #tpu.memory_space<vmem>>) semaphore(%arg10 : memref<!tpu.dma_semaphore, #tpu.memory_space<semaphore_mem>>)
      %dma_wait3A = arith.constant 0 : i32
      %dma_wait3A_43 = arith.constant 0 : i32
      %dma_wait3A_44 = tpu.memref_slice %arg2[%dma_wait3A, %dma_wait3A_43] : memref<10000x128xf32, #tpu.memory_space<hbm>> -> memref<10000x128xf32, #tpu.memory_space<hbm>>
      tpu.wait_indirect_dma semaphore(%arg10 : memref<!tpu.dma_semaphore, #tpu.memory_space<semaphore_mem>>) src(%dma_wait3A_44 : memref<10000x128xf32, #tpu.memory_space<hbm>>) dst(%arg8 : memref<128x128xf32, #tpu.memory_space<vmem>>)
      "tpu.region"() ({
        %run_scoped3A = tpu.sem_alloc : memref<!tpu.dma_semaphore, #tpu.memory_space<semaphore_mem>>
        %dma_start3A_45 = arith.constant 0 : i32
        %dma_start3A_46 = arith.constant 0 : i32
        %dma_start3A_47 = tpu.memref_slice %arg9[%dma_start3A_45, %dma_start3A_46] : memref<10240x128xf32, #tpu.memory_space<vmem_shared>> -> memref<10240x128xf32, #tpu.memory_space<vmem_shared>>
        tpu.enqueue_indirect_dma source(%arg8 : memref<128x128xf32, #tpu.memory_space<vmem>>) target(%dma_start3A_47 : memref<10240x128xf32, #tpu.memory_space<vmem_shared>>) offsets(%arg7 : memref<128xi32, #tpu.memory_space<vmem>>) semaphore(%run_scoped3A : memref<!tpu.dma_semaphore, #tpu.memory_space<semaphore_mem>>) {add = true}
        %dma_wait3A_48 = arith.constant 0 : i32
        %dma_wait3A_49 = arith.constant 0 : i32
        %dma_wait3A_50 = tpu.memref_slice %arg9[%dma_wait3A_48, %dma_wait3A_49] : memref<10240x128xf32, #tpu.memory_space<vmem_shared>> -> memref<10240x128xf32, #tpu.memory_space<vmem_shared>>
        tpu.wait_indirect_dma semaphore(%run_scoped3A : memref<!tpu.dma_semaphore, #tpu.memory_space<semaphore_mem>>) src(%arg8 : memref<128x128xf32, #tpu.memory_space<vmem>>) dst(%dma_wait3A_50 : memref<10240x128xf32, #tpu.memory_space<vmem_shared>>)
        tpu.yield
      }) : () -> ()
    }
    %scan3A_33 = arith.constant 79 : i32
    %barrier3A_34 = arith.constant 0 : index
    tpu.barrier barrier_id(%barrier3A_34)
    %mul3A_35 = arith.constant 640 : i32
    %mul3A_36 = arith.muli %arg1, %mul3A_35 : i32
    "tpu.region"() ({
      %run_scoped3A = tpu.sem_alloc : memref<!tpu.dma_semaphore, #tpu.memory_space<semaphore_mem>>
      %dma_start3A = arith.constant 0 : i32
      %dma_start3A_37 = tpu.memref_slice %arg5[%arg0, %mul3A_36, %dma_start3A] : memref<2x10240x128xf32, #tpu.memory_space<hbm>> -> memref<1x640x128xf32, #tpu.memory_space<hbm>>
      %dma_start3A_38 = tpu.memref_squeeze %dma_start3A_37 : memref<1x640x128xf32, #tpu.memory_space<hbm>> -> memref<640x128xf32, #tpu.memory_space<hbm>>
      %dma_start3A_39 = arith.constant 0 : i32
      %dma_start3A_40 = tpu.memref_slice %arg9[%mul3A_36, %dma_start3A_39] : memref<10240x128xf32, #tpu.memory_space<vmem_shared>> -> memref<640x128xf32, #tpu.memory_space<vmem_shared>>
      tpu.enqueue_dma source(%dma_start3A_40 : memref<640x128xf32, #tpu.memory_space<vmem_shared>>) target(%dma_start3A_38 : memref<640x128xf32, #tpu.memory_space<hbm>>) target_semaphore(%run_scoped3A : memref<!tpu.dma_semaphore, #tpu.memory_space<semaphore_mem>>)
      %dma_wait3A = arith.constant 0 : i32
      %dma_wait3A_41 = tpu.memref_slice %arg5[%arg0, %mul3A_36, %dma_wait3A] : memref<2x10240x128xf32, #tpu.memory_space<hbm>> -> memref<1x640x128xf32, #tpu.memory_space<hbm>>
      %dma_wait3A_42 = tpu.memref_squeeze %dma_wait3A_41 : memref<1x640x128xf32, #tpu.memory_space<hbm>> -> memref<640x128xf32, #tpu.memory_space<hbm>>
      %dma_wait3A_43 = arith.constant 0 : i32
      %dma_wait3A_44 = tpu.memref_slice %arg9[%mul3A_36, %dma_wait3A_43] : memref<10240x128xf32, #tpu.memory_space<vmem_shared>> -> memref<640x128xf32, #tpu.memory_space<vmem_shared>>
      tpu.wait_dma2 semaphore(%run_scoped3A : memref<!tpu.dma_semaphore, #tpu.memory_space<semaphore_mem>>) src(%dma_wait3A_44 : memref<640x128xf32, #tpu.memory_space<vmem_shared>>) dst(%dma_wait3A_42 : memref<640x128xf32, #tpu.memory_space<hbm>>)
      tpu.yield
    }) : () -> ()
    return
  }
}

module attributes {stable_mosaic.version = 14 : i64} {
  func.func @_lin_body(%arg0: i32, %arg1: memref<2000x128xf32, #tpu.memory_space<vmem>>, %arg2: memref<128x128xf32, #tpu.memory_space<vmem>>, %arg3: memref<1x128xf32, #tpu.memory_space<vmem>>, %arg4: memref<2000x128xf32, #tpu.memory_space<vmem>>) attributes {dimension_semantics = [#tpu.dimension_semantics<arbitrary>], iteration_bounds = array<i64: 5>, scalar_prefetch = 0 : i64, scratch_operands = 0 : i64, tpu.core_type = #tpu.core_type<tc>, window_params = [{transform_indices = @transform_0, window_bounds = array<i64: 2000, 128>}, {pipeline_mode = #tpu.pipeline_mode<synchronous>, transform_indices = @transform_1, window_bounds = array<i64: 128, 128>}, {pipeline_mode = #tpu.pipeline_mode<synchronous>, transform_indices = @transform_2, window_bounds = array<i64: 1, 128>}, {transform_indices = @transform_3, window_bounds = array<i64: 2000, 128>}]} {
    %get3A = arith.constant 0 : index
    %get3A_0 = arith.constant 0 : index
    %get3A_1 = vector.load %arg1[%get3A, %get3A_0] : memref<2000x128xf32, #tpu.memory_space<vmem>>, vector<2000x128xf32>
    %get3A_2 = arith.constant 0 : index
    %get3A_3 = arith.constant 0 : index
    %get3A_4 = vector.load %arg2[%get3A_2, %get3A_3] : memref<128x128xf32, #tpu.memory_space<vmem>>, vector<128x128xf32>
    %dot_general3A = arith.constant dense<0.000000e+00> : vector<2000x128xf32>
    %dot_general3A_5 = tpu.matmul %get3A_1, %get3A_4, %dot_general3A {dimension_numbers = #tpu.dot_dimension_numbers<[1], [1], [0], [0], [0, 0, 1, 0], [], []>, transpose_lhs_hint = false} : vector<2000x128xf32>, vector<128x128xf32>, vector<2000x128xf32> -> vector<2000x128xf32>
    %get3A_6 = arith.constant 0 : index
    %get3A_7 = arith.constant 0 : index
    %get3A_8 = vector.load %arg3[%get3A_6, %get3A_7] : memref<1x128xf32, #tpu.memory_space<vmem>>, vector<1x128xf32>
    %add3A = vector.broadcast %get3A_8 : vector<1x128xf32> to vector<2000x128xf32>
    %add3A_9 = arith.addf %dot_general3A_5, %add3A : vector<2000x128xf32>
    %swap3A = arith.constant 0 : index
    %swap3A_10 = arith.constant 0 : index
    %swap3A_11 = vector.load %arg4[%swap3A, %swap3A_10] : memref<2000x128xf32, #tpu.memory_space<vmem>>, vector<2000x128xf32>
    tpu.vector_store %arg4[%swap3A, %swap3A_10], %add3A_9 {strides = array<i32>} : memref<2000x128xf32, #tpu.memory_space<vmem>>, vector<2000x128xf32>,
    return
  }
  func.func @transform_0(%arg0: i32) -> (i32, i32) {
    %c0_i32 = arith.constant 0 : i32
    %c0_i32_0 = arith.constant 0 : i32
    return %arg0, %c0_i32 : i32, i32
  }
  func.func @transform_1(%arg0: i32) -> (i32, i32) {
    %c0_i32 = arith.constant 0 : i32
    %c0_i32_0 = arith.constant 0 : i32
    %c0_i32_1 = arith.constant 0 : i32
    return %c0_i32, %c0_i32_0 : i32, i32
  }
  func.func @transform_2(%arg0: i32) -> (i32, i32) {
    %c0_i32 = arith.constant 0 : i32
    %c0_i32_0 = arith.constant 0 : i32
    %c0_i32_1 = arith.constant 0 : i32
    return %c0_i32, %c0_i32_0 : i32, i32
  }
  func.func @transform_3(%arg0: i32) -> (i32, i32) {
    %c0_i32 = arith.constant 0 : i32
    %c0_i32_0 = arith.constant 0 : i32
    return %arg0, %c0_i32 : i32, i32
  }
}

module attributes {stable_mosaic.version = 14 : i64} {
  func.func @_mid_body(%arg0: i32, %arg1: memref<1x2000x128xf32, #tpu.memory_space<vmem>>, %arg2: memref<1x2000x128xf32, #tpu.memory_space<vmem>>, %arg3: memref<2000x128xf32, #tpu.memory_space<vmem>>, %arg4: memref<128x128xf32, #tpu.memory_space<vmem>>, %arg5: memref<1x128xf32, #tpu.memory_space<vmem>>, %arg6: memref<2000x128xf32, #tpu.memory_space<vmem>>) attributes {dimension_semantics = [#tpu.dimension_semantics<arbitrary>], iteration_bounds = array<i64: 5>, scalar_prefetch = 0 : i64, scratch_operands = 0 : i64, tpu.core_type = #tpu.core_type<tc>, window_params = [{transform_indices = @transform_0, window_bounds = array<i64: 1, 2000, 128>}, {transform_indices = @transform_1, window_bounds = array<i64: 1, 2000, 128>}, {transform_indices = @transform_2, window_bounds = array<i64: 2000, 128>}, {pipeline_mode = #tpu.pipeline_mode<synchronous>, transform_indices = @transform_3, window_bounds = array<i64: 128, 128>}, {pipeline_mode = #tpu.pipeline_mode<synchronous>, transform_indices = @transform_4, window_bounds = array<i64: 1, 128>}, {transform_indices = @transform_5, window_bounds = array<i64: 2000, 128>}]} {
    %get3A = arith.constant 0 : index
    %get3A_0 = arith.constant 0 : index
    %get3A_1 = arith.constant 0 : index
    %get3A_2 = vector.load %arg1[%get3A, %get3A_0, %get3A_1] : memref<1x2000x128xf32, #tpu.memory_space<vmem>>, vector<1x2000x128xf32>
    %get3A_3 = vector.shape_cast %get3A_2 : vector<1x2000x128xf32> to vector<2000x128xf32>
    %get3A_4 = arith.constant 0 : index
    %get3A_5 = arith.constant 0 : index
    %get3A_6 = arith.constant 0 : index
    %get3A_7 = vector.load %arg2[%get3A_4, %get3A_5, %get3A_6] : memref<1x2000x128xf32, #tpu.memory_space<vmem>>, vector<1x2000x128xf32>
    %get3A_8 = vector.shape_cast %get3A_7 : vector<1x2000x128xf32> to vector<2000x128xf32>
    %add3A = arith.addf %get3A_3, %get3A_8 : vector<2000x128xf32>
    %get3A_9 = arith.constant 0 : index
    %get3A_10 = arith.constant 0 : index
    %get3A_11 = vector.load %arg3[%get3A_9, %get3A_10] : memref<2000x128xf32, #tpu.memory_space<vmem>>, vector<2000x128xf32>
    %add3A_12 = arith.addf %add3A, %get3A_11 : vector<2000x128xf32>
    %max3A = arith.constant 0.000000e+00 : f32
    %max3A_13 = vector.broadcast %max3A : f32 to vector<2000x128xf32>
    %max3A_14 = arith.maximumf %add3A_12, %max3A_13 : vector<2000x128xf32>
    %get3A_15 = arith.constant 0 : index
    %get3A_16 = arith.constant 0 : index
    %get3A_17 = vector.load %arg4[%get3A_15, %get3A_16] : memref<128x128xf32, #tpu.memory_space<vmem>>, vector<128x128xf32>
    %dot_general3A = arith.constant dense<0.000000e+00> : vector<2000x128xf32>
    %dot_general3A_18 = tpu.matmul %max3A_14, %get3A_17, %dot_general3A {dimension_numbers = #tpu.dot_dimension_numbers<[1], [1], [0], [0], [0, 0, 1, 0], [], []>, transpose_lhs_hint = false} : vector<2000x128xf32>, vector<128x128xf32>, vector<2000x128xf32> -> vector<2000x128xf32>
    %get3A_19 = arith.constant 0 : index
    %get3A_20 = arith.constant 0 : index
    %get3A_21 = vector.load %arg5[%get3A_19, %get3A_20] : memref<1x128xf32, #tpu.memory_space<vmem>>, vector<1x128xf32>
    %add3A_22 = vector.broadcast %get3A_21 : vector<1x128xf32> to vector<2000x128xf32>
    %add3A_23 = arith.addf %dot_general3A_18, %add3A_22 : vector<2000x128xf32>
    %swap3A = arith.constant 0 : index
    %swap3A_24 = arith.constant 0 : index
    %swap3A_25 = vector.load %arg6[%swap3A, %swap3A_24] : memref<2000x128xf32, #tpu.memory_space<vmem>>, vector<2000x128xf32>
    tpu.vector_store %arg6[%swap3A, %swap3A_24], %add3A_23 {strides = array<i32>} : memref<2000x128xf32, #tpu.memory_space<vmem>>, vector<2000x128xf32>,
    return
  }
  func.func @transform_0(%arg0: i32) -> (i32, i32, i32) {
    %c0_i32 = arith.constant 0 : i32
    %c0_i32_0 = arith.constant 0 : i32
    %c0_i32_1 = arith.constant 0 : i32
    return %c0_i32, %arg0, %c0_i32_0 : i32, i32, i32
  }
  func.func @transform_1(%arg0: i32) -> (i32, i32, i32) {
    %c1_i32 = arith.constant 1 : i32
    %c0_i32 = arith.constant 0 : i32
    %c0_i32_0 = arith.constant 0 : i32
    return %c1_i32, %arg0, %c0_i32 : i32, i32, i32
  }
  func.func @transform_2(%arg0: i32) -> (i32, i32) {
    %c0_i32 = arith.constant 0 : i32
    %c0_i32_0 = arith.constant 0 : i32
    return %arg0, %c0_i32 : i32, i32
  }
  func.func @transform_3(%arg0: i32) -> (i32, i32) {
    %c0_i32 = arith.constant 0 : i32
    %c0_i32_0 = arith.constant 0 : i32
    %c0_i32_1 = arith.constant 0 : i32
    return %c0_i32, %c0_i32_0 : i32, i32
  }
  func.func @transform_4(%arg0: i32) -> (i32, i32) {
    %c0_i32 = arith.constant 0 : i32
    %c0_i32_0 = arith.constant 0 : i32
    %c0_i32_1 = arith.constant 0 : i32
    return %c0_i32, %c0_i32_0 : i32, i32
  }
  func.func @transform_5(%arg0: i32) -> (i32, i32) {
    %c0_i32 = arith.constant 0 : i32
    %c0_i32_0 = arith.constant 0 : i32
    return %arg0, %c0_i32 : i32, i32
  }
}

module attributes {stable_mosaic.version = 14 : i64} {
  func.func @_head_body(%arg0: i32, %arg1: memref<1x2000x128xf32, #tpu.memory_space<vmem>>, %arg2: memref<1x2000x128xf32, #tpu.memory_space<vmem>>, %arg3: memref<2000x128xf32, #tpu.memory_space<vmem>>, %arg4: memref<1x1x2000xi32, #tpu.memory_space<vmem>>, %arg5: memref<1x128xf32, #tpu.memory_space<vmem>>, %arg6: memref<1x1xf32, #tpu.memory_space<vmem>>, %arg7: memref<32x1xf32, #tpu.memory_space<vmem>>, %arg8: memref<32x128xf32, #tpu.memory_space<vmem>>, %arg9: memref<32x1xf32, #tpu.memory_space<vmem>>) attributes {dimension_semantics = [#tpu.dimension_semantics<arbitrary>], iteration_bounds = array<i64: 5>, scalar_prefetch = 0 : i64, scratch_operands = 2 : i64, tpu.core_type = #tpu.core_type<tc>, window_params = [{transform_indices = @transform_0, window_bounds = array<i64: 1, 2000, 128>}, {transform_indices = @transform_1, window_bounds = array<i64: 1, 2000, 128>}, {transform_indices = @transform_2, window_bounds = array<i64: 2000, 128>}, {transform_indices = @transform_3, window_bounds = array<i64: 1, 1, 2000>}, {pipeline_mode = #tpu.pipeline_mode<synchronous>, transform_indices = @transform_4, window_bounds = array<i64: 1, 128>}, {pipeline_mode = #tpu.pipeline_mode<synchronous>, transform_indices = @transform_5, window_bounds = array<i64: 1, 1>}, {pipeline_mode = #tpu.pipeline_mode<synchronous>, transform_indices = @transform_6, window_bounds = array<i64: 32, 1>}]} {
    %eq3A = arith.constant 0 : i32
    %eq3A_0 = arith.cmpi eq, %arg0, %eq3A : i32
    %convert_element_type3A = arith.extui %eq3A_0 : i1 to i32
    %cond3A = arith.constant 0 : i32
    %cond3A_1 = arith.cmpi ne, %convert_element_type3A, %cond3A : i32
    scf.if %cond3A_1 {
      %broadcast_in_dim3A_45 = arith.constant 0.000000e+00 : f32
      %broadcast_in_dim3A_46 = vector.broadcast %broadcast_in_dim3A_45 : f32 to vector<32x128xf32>
      %swap3A_47 = arith.constant 0 : index
      %swap3A_48 = arith.constant 0 : index
      %swap3A_49 = vector.load %arg8[%swap3A_47, %swap3A_48] : memref<32x128xf32, #tpu.memory_space<vmem>>, vector<32x128xf32>
      tpu.vector_store %arg8[%swap3A_47, %swap3A_48], %broadcast_in_dim3A_46 {strides = array<i32>} : memref<32x128xf32, #tpu.memory_space<vmem>>, vector<32x128xf32>,
      %broadcast_in_dim3A_50 = arith.constant 0.000000e+00 : f32
      %broadcast_in_dim3A_51 = vector.broadcast %broadcast_in_dim3A_50 : f32 to vector<32x1xf32>
      %swap3A_52 = arith.constant 0 : index
      %swap3A_53 = arith.constant 0 : index
      %swap3A_54 = vector.load %arg9[%swap3A_52, %swap3A_53] : memref<32x1xf32, #tpu.memory_space<vmem>>, vector<32x1xf32>
      tpu.vector_store %arg9[%swap3A_52, %swap3A_53], %broadcast_in_dim3A_51 {strides = array<i32>} : memref<32x1xf32, #tpu.memory_space<vmem>>, vector<32x1xf32>,
    } else {
    }
    %get3A = arith.constant 0 : index
    %get3A_2 = arith.constant 0 : index
    %get3A_3 = arith.constant 0 : index
    %get3A_4 = vector.load %arg1[%get3A, %get3A_2, %get3A_3] : memref<1x2000x128xf32, #tpu.memory_space<vmem>>, vector<1x2000x128xf32>
    %get3A_5 = vector.shape_cast %get3A_4 : vector<1x2000x128xf32> to vector<2000x128xf32>
    %get3A_6 = arith.constant 0 : index
    %get3A_7 = arith.constant 0 : index
    %get3A_8 = arith.constant 0 : index
    %get3A_9 = vector.load %arg2[%get3A_6, %get3A_7, %get3A_8] : memref<1x2000x128xf32, #tpu.memory_space<vmem>>, vector<1x2000x128xf32>
    %get3A_10 = vector.shape_cast %get3A_9 : vector<1x2000x128xf32> to vector<2000x128xf32>
    %add3A = arith.addf %get3A_5, %get3A_10 : vector<2000x128xf32>
    %get3A_11 = arith.constant 0 : index
    %get3A_12 = arith.constant 0 : index
    %get3A_13 = vector.load %arg3[%get3A_11, %get3A_12] : memref<2000x128xf32, #tpu.memory_space<vmem>>, vector<2000x128xf32>
    %add3A_14 = arith.addf %add3A, %get3A_13 : vector<2000x128xf32>
    %get3A_15 = arith.constant 0 : index
    %get3A_16 = arith.constant 0 : index
    %get3A_17 = arith.constant 0 : index
    %get3A_18 = vector.load %arg4[%get3A_15, %get3A_16, %get3A_17] : memref<1x1x2000xi32, #tpu.memory_space<vmem>>, vector<1x1x2000xi32>
    %get3A_19 = vector.shape_cast %get3A_18 : vector<1x1x2000xi32> to vector<2000xi32>
    %iota3A = tpu.iota {dimensions = array<i32: 0>} : vector<32x2000xi32>
    %broadcast_in_dim3A = vector.shape_cast %get3A_19 : vector<2000xi32> to vector<1x2000xi32>
    %eq3A_20 = vector.broadcast %broadcast_in_dim3A : vector<1x2000xi32> to vector<32x2000xi32>
    %eq3A_21 = arith.cmpi eq, %iota3A, %eq3A_20 : vector<32x2000xi32>
    %convert_element_type3A_22 = arith.extui %eq3A_21 : vector<32x2000xi1> to vector<32x2000xi32>
    %convert_element_type3A_23 = arith.sitofp %convert_element_type3A_22 : vector<32x2000xi32> to vector<32x2000xf32>
    %get3A_24 = arith.constant 0 : index
    %get3A_25 = arith.constant 0 : index
    %get3A_26 = vector.load %arg8[%get3A_24, %get3A_25] : memref<32x128xf32, #tpu.memory_space<vmem>>, vector<32x128xf32>
    %dot_general3A = arith.constant dense<0.000000e+00> : vector<32x128xf32>
    %dot_general3A_27 = tpu.matmul %convert_element_type3A_23, %add3A_14, %dot_general3A {dimension_numbers = #tpu.dot_dimension_numbers<[1], [0], [0], [1], [0, 0, 1, 1], [], []>, transpose_lhs_hint = false} : vector<32x2000xf32>, vector<2000x128xf32>, vector<32x128xf32> -> vector<32x128xf32>
    %add3A_28 = arith.addf %get3A_26, %dot_general3A_27 : vector<32x128xf32>
    %swap3A = arith.constant 0 : index
    %swap3A_29 = arith.constant 0 : index
    %swap3A_30 = vector.load %arg8[%swap3A, %swap3A_29] : memref<32x128xf32, #tpu.memory_space<vmem>>, vector<32x128xf32>
    tpu.vector_store %arg8[%swap3A, %swap3A_29], %add3A_28 {strides = array<i32>} : memref<32x128xf32, #tpu.memory_space<vmem>>, vector<32x128xf32>,
    %get3A_31 = arith.constant 0 : index
    %get3A_32 = arith.constant 0 : index
    %get3A_33 = vector.load %arg9[%get3A_31, %get3A_32] : memref<32x1xf32, #tpu.memory_space<vmem>>, vector<32x1xf32>
    %reduce_sum3A = arith.constant dense<0.000000e+00> : vector<32xf32>
    %reduce_sum3A_34 = vector.multi_reduction <add>, %convert_element_type3A_23, %reduce_sum3A [1] : vector<32x2000xf32> to vector<32xf32>
    %broadcast_in_dim3A_35 = vector.shape_cast %reduce_sum3A_34 : vector<32xf32> to vector<32x1xf32>
    %add3A_36 = arith.addf %get3A_33, %broadcast_in_dim3A_35 : vector<32x1xf32>
    %swap3A_37 = arith.constant 0 : index
    %swap3A_38 = arith.constant 0 : index
    %swap3A_39 = vector.load %arg9[%swap3A_37, %swap3A_38] : memref<32x1xf32, #tpu.memory_space<vmem>>, vector<32x1xf32>
    tpu.vector_store %arg9[%swap3A_37, %swap3A_38], %add3A_36 {strides = array<i32>} : memref<32x1xf32, #tpu.memory_space<vmem>>, vector<32x1xf32>,
    %eq3A_40 = arith.constant 4 : i32
    %eq3A_41 = arith.cmpi eq, %arg0, %eq3A_40 : i32
    %convert_element_type3A_42 = arith.extui %eq3A_41 : i1 to i32
    %cond3A_43 = arith.constant 0 : i32
    %cond3A_44 = arith.cmpi ne, %convert_element_type3A_42, %cond3A_43 : i32
    scf.if %cond3A_44 {
      %get3A_45 = arith.constant 0 : index
      %get3A_46 = arith.constant 0 : index
      %get3A_47 = vector.load %arg8[%get3A_45, %get3A_46] : memref<32x128xf32, #tpu.memory_space<vmem>>, vector<32x128xf32>
      %get3A_48 = arith.constant 0 : index
      %get3A_49 = arith.constant 0 : index
      %get3A_50 = vector.load %arg9[%get3A_48, %get3A_49] : memref<32x1xf32, #tpu.memory_space<vmem>>, vector<32x1xf32>
      %max3A = arith.constant 1.000000e+00 : f32
      %max3A_51 = vector.broadcast %max3A : f32 to vector<32x1xf32>
      %max3A_52 = arith.maximumf %get3A_50, %max3A_51 : vector<32x1xf32>
      %div3A = vector.broadcast %max3A_52 : vector<32x1xf32> to vector<32x128xf32>
      %div3A_53 = arith.divf %get3A_47, %div3A : vector<32x128xf32>
      %get3A_54 = arith.constant 0 : index
      %get3A_55 = arith.constant 0 : index
      %get3A_56 = vector.load %arg5[%get3A_54, %get3A_55] : memref<1x128xf32, #tpu.memory_space<vmem>>, vector<1x128xf32>
      %mul3A = vector.broadcast %get3A_56 : vector<1x128xf32> to vector<32x128xf32>
      %mul3A_57 = arith.mulf %div3A_53, %mul3A : vector<32x128xf32>
      %reduce_sum3A_58 = arith.constant dense<0.000000e+00> : vector<32xf32>
      %reduce_sum3A_59 = vector.multi_reduction <add>, %mul3A_57, %reduce_sum3A_58 [1] : vector<32x128xf32> to vector<32xf32>
      %broadcast_in_dim3A_60 = vector.shape_cast %reduce_sum3A_59 : vector<32xf32> to vector<32x1xf32>
      %get3A_61 = arith.constant 0 : index
      %get3A_62 = arith.constant 0 : index
      %get3A_63 = vector.load %arg6[%get3A_61, %get3A_62] : memref<1x1xf32, #tpu.memory_space<vmem>>, vector<1x1xf32>
      %get3A_64 = vector.extract %get3A_63[0, 0] : f32 from vector<1x1xf32>
      %add3A_65 = vector.broadcast %get3A_64 : f32 to vector<32x1xf32>
      %add3A_66 = arith.addf %broadcast_in_dim3A_60, %add3A_65 : vector<32x1xf32>
      %neg3A = arith.constant 0.000000e+00 : f32
      %neg3A_67 = vector.broadcast %neg3A : f32 to vector<32x1xf32>
      %neg3A_68 = arith.subf %neg3A_67, %add3A_66 : vector<32x1xf32>
      %exp3A = math.exp %neg3A_68 : vector<32x1xf32>
      %add3A_69 = arith.constant 1.000000e+00 : f32
      %add3A_70 = vector.broadcast %add3A_69 : f32 to vector<32x1xf32>
      %add3A_71 = arith.addf %add3A_70, %exp3A : vector<32x1xf32>
      %div3A_72 = arith.constant 1.000000e+00 : f32
      %div3A_73 = vector.broadcast %div3A_72 : f32 to vector<32x1xf32>
      %div3A_74 = arith.divf %div3A_73, %add3A_71 : vector<32x1xf32>
      %swap3A_75 = arith.constant 0 : index
      %swap3A_76 = arith.constant 0 : index
      %swap3A_77 = vector.load %arg7[%swap3A_75, %swap3A_76] : memref<32x1xf32, #tpu.memory_space<vmem>>, vector<32x1xf32>
      tpu.vector_store %arg7[%swap3A_75, %swap3A_76], %div3A_74 {strides = array<i32>} : memref<32x1xf32, #tpu.memory_space<vmem>>, vector<32x1xf32>,
    } else {
    }
    return
  }
  func.func @transform_0(%arg0: i32) -> (i32, i32, i32) {
    %c0_i32 = arith.constant 0 : i32
    %c0_i32_0 = arith.constant 0 : i32
    %c0_i32_1 = arith.constant 0 : i32
    return %c0_i32, %arg0, %c0_i32_0 : i32, i32, i32
  }
  func.func @transform_1(%arg0: i32) -> (i32, i32, i32) {
    %c1_i32 = arith.constant 1 : i32
    %c0_i32 = arith.constant 0 : i32
    %c0_i32_0 = arith.constant 0 : i32
    return %c1_i32, %arg0, %c0_i32 : i32, i32, i32
  }
  func.func @transform_2(%arg0: i32) -> (i32, i32) {
    %c0_i32 = arith.constant 0 : i32
    %c0_i32_0 = arith.constant 0 : i32
    return %arg0, %c0_i32 : i32, i32
  }
  func.func @transform_3(%arg0: i32) -> (i32, i32, i32) {
    %c0_i32 = arith.constant 0 : i32
    %c0_i32_0 = arith.constant 0 : i32
    %c0_i32_1 = arith.constant 0 : i32
    return %arg0, %c0_i32, %c0_i32_0 : i32, i32, i32
  }
  func.func @transform_4(%arg0: i32) -> (i32, i32) {
    %c0_i32 = arith.constant 0 : i32
    %c0_i32_0 = arith.constant 0 : i32
    %c0_i32_1 = arith.constant 0 : i32
    return %c0_i32, %c0_i32_0 : i32, i32
  }
  func.func @transform_5(%arg0: i32) -> (i32, i32) {
    %c0_i32 = arith.constant 0 : i32
    %c0_i32_0 = arith.constant 0 : i32
    %c0_i32_1 = arith.constant 0 : i32
    return %c0_i32, %c0_i32_0 : i32, i32
  }
  func.func @transform_6(%arg0: i32) -> (i32, i32) {
    %c0_i32 = arith.constant 0 : i32
    %c0_i32_0 = arith.constant 0 : i32
    %c0_i32_1 = arith.constant 0 : i32
    return %c0_i32, %c0_i32_0 : i32, i32
  }
}

</mosaic_0001>

<sc_bundles>
// kernel: kernel.11.cloned.1.call-start
scs
__scs_entry_jumppad:
0x0: {  	(pc) =	sbr.rel $0x88, $3  }
0x1: {  	(tag) =	ssettag $0x0;
	lr =	simm.s32 $0x1  }
0x2: {  	[smem:$0x3F94] =	sst lr;
	_ =	strace $0xD0000000  }
0x3: {  	_ = 	snop  }
0x4: {  	_ = 	snop  }
0x5: {  	_ = 	snop  }
0x6: {  	_ = 	snop  }
0x7: {  	_ = 	snop  }
__scs_overlays_trampoline_lowered:
0x8: {  	[smem:$0x3FA3] =	sst s0  }
0x9: {  	[smem:$0x3FA4] =	sst s1  }
0xa: {  	[smem:$0x3FA5] =	sst s2  }
0xb: {  	[smem:$0x3FA6] =	sst s3  }
0xc: {  	[smem:$0x3FA7] =	sst s4  }
0xd: {  	[smem:$0x3FA8] =	sst s5  }
0xe: {  	[smem:$0x3FA9] =	sst s6  }
0xf: {  	[smem:$0x3FAA] =	sst s7  }
0x10: {  	[smem:$0x3FAB] =	sst s8  }
0x11: {  	[smem:$0x3FAC] =	sst s9;
	s0 =	simm.s32 @!p0 $0x0  }
0x12: {  	s1 =	sld [smem:$0x3F92];
	s0 =	simm.s32 @p0 $0x1  }
0x13: {  	[smem:$0x3FAD] =	sst s0;
	s0 =	simm.s32 @!p1 $0x0  }
0x14: {  	s2 =	sld [smem:$0x3F91];
	s0 =	simm.s32 @p1 $0x1  }
0x15: {  	[smem:$0x3FAE] =	sst s0;
	s0 =	simm.s32 @!p2 $0x0  }
0x16: {  	s3 =	sld [smem:$0x3FDB];
	s0 =	simm.s32 @p2 $0x1  }
0x17: {  	s4 =	simm.s32 $0x1BF5;
	[smem:$0x3FB0] =	sst s0  }
0x18: {  	s0 =	sld [smem:$0x3F93];
	_ =	swait.ge [sflag:s4], $0x0  }
0x19: {  	s7 =	sld [smem:$0x3F94]  }
0x1a: {  	s8 =	sadd.s32 $0xFFFFE003, lr  }
0x1b: {  	s9 =	sadd.s32 $0xFFFFFEF7, lr;
	s5 =	simm.s32 $0xFFFFFFFF;
	p2 =	slt.u32 s8, $0xFFFFF086  }
0x1c: {  	p1 =	slt.u32 s9, $0xF7A;
	s5 =	simm.s32 @!p2 $0x0  }
0x1d: {  	s5 =	simm.s32 @p1 $0x1;
	p0 =	seq.s32 s7, s2  }
0x1e: {  	s7 =	smul.u32 @!p0 $0xF7A, s2;
	p2 =	seq.s32 @!p0 s5, $0x0  }
0x1f: {  	s9 =	smul.u32 $0xF7A, s1;
	s8 =	simm.s32 @!p0 $0x1BF5;
	p2 =	por !p2, p0  }
0x20: {  	[sflag:s8] =	ssyncset.s32 @!p0 $0xFFFFF086;
	s6 =	sadd.s32 @!p0 s3, s7;
	s7 =	simm.s32 @!p0 $0x108  }
0x21: {  	s3 =	sadd.s32 s3, s9;
	s6 =	sadd.s32 @!p0 $0x88, s6;
	s7 =	simm.s32 @p2 $0x1082  }
0x22: {  	[simem:s7], [sflag:s8] =	dma.local @!p0 [hbm:s6], $0xF7A  }
0x23: {  	s9 =	sor.u32 $0xD0000000, s2;
	s6 =	simm.s32 $0x108;
	_ =	swait.ge @!p0 [sflag:s8], $0x0  }
0x24: {  	s3 =	sadd.s32 $0x88, s3;
	s6 =	simm.s32 @!p1 $0x1082;
	[sflag:s4] =	ssyncset.s32 $0xFFFFF086  }
0x25: {  	[simem:s6], [sflag:s4] =	dma.local [hbm:s3], $0xF7A  }
0x26: {  	[smem:$0x3F94] =	sst s1;
	(tag) =	ssettag s2;
	_ =	strace s9  }
0x27: {  	s1 =	sld [smem:$0x3FA4]  }
0x28: {  	s2 =	sld [smem:$0x3FA5]  }
0x29: {  	s4 =	sld [smem:$0x3FA7]  }
0x2a: {  	p0 =	seq.s32 s5, $0x0;
	s5 =	sld [smem:$0x3FA8]  }
0x2b: {  	s6 =	sld [smem:$0x3FA9]  }
0x2c: {  	s7 =	sld [smem:$0x3FAA]  }
0x2d: {  	s3 =	simm.s32 $0x108;
	s8 =	sld [smem:$0x3FAB]  }
0x2e: {  	s3 =	simm.s32 @!p0 $0x1082;
	s9 =	sld [smem:$0x3FAC]  }
0x2f: {  	lr =	sadd.s32 s0, s3;
	s0 =	sld [smem:$0x3FA3]  }
0x30: {  	s3 =	sld [smem:$0x3FA6]  }
0x31: {  	[smem:$0x3FAF] =	sst s10  }
0x32: {  	s10 =	sld [smem:$0x3FAD];
	_ =	sdelay $0x3  }
0x33: {  	p0 =	seq.s32 s10, $0x1;
	s10 =	sld [smem:$0x3FAF];
	_ =	sdelay $0x3  }
0x34: {  	[smem:$0x3FAF] =	sst s10  }
0x35: {  	s10 =	sld [smem:$0x3FAE];
	_ =	sdelay $0x3  }
0x36: {  	p1 =	seq.s32 s10, $0x1;
	s10 =	sld [smem:$0x3FAF];
	_ =	sdelay $0x3  }
0x37: {  	[smem:$0x3FAF] =	sst s10  }
0x38: {  	s10 =	sld [smem:$0x3FB0]  }
0x39: {  	_ = 	snop;
	(pc) =	sbr.ind lr, $3  }
0x3a: {  	_ = 	snop  }
0x3b: {  	_ = 	snop  }
0x3c: {  	p2 =	seq.s32 s10, $0x1;
	s10 =	sld [smem:$0x3FAF]  }
0x3d: {  	_ =	shalt  }
0x3e: {  	_ =	shalt  }
0x3f: {  	_ =	shalt  }
0x40: {  	_ =	shalt  }
0x41: {  	_ =	shalt  }
0x42: {  	_ =	shalt  }
0x43: {  	_ =	shalt  }
0x44: {  	_ =	shalt  }
0x45: {  	_ =	shalt  }
0x46: {  	_ =	shalt  }
0x47: {  	_ =	shalt  }
0x48: {  	_ =	shalt  }
0x49: {  	_ =	shalt  }
0x4a: {  	_ =	shalt  }
0x4b: {  	_ =	shalt  }
0x4c: {  	_ =	shalt  }
0x4d: {  	_ =	shalt  }
0x4e: {  	_ =	shalt  }
0x4f: {  	_ =	shalt  }
0x50: {  	_ =	shalt  }
0x51: {  	_ =	shalt  }
0x52: {  	_ =	shalt  }
0x53: {  	_ =	shalt  }
0x54: {  	_ =	shalt  }
0x55: {  	_ =	shalt  }
0x56: {  	_ =	shalt  }
0x57: {  	_ =	shalt  }
0x58: {  	_ =	shalt  }
0x59: {  	_ =	shalt  }
0x5a: {  	_ =	shalt  }
0x5b: {  	_ =	shalt  }
0x5c: {  	_ =	shalt  }
0x5d: {  	_ =	shalt  }
0x5e: {  	_ =	shalt  }
0x5f: {  	_ =	shalt  }
0x60: {  	_ =	shalt  }
0x61: {  	_ =	shalt  }
0x62: {  	_ =	shalt  }
0x63: {  	_ =	shalt  }
0x64: {  	_ =	shalt  }
0x65: {  	_ =	shalt  }
0x66: {  	_ =	shalt  }
0x67: {  	_ =	shalt  }
0x68: {  	_ =	shalt  }
0x69: {  	_ =	shalt  }
0x6a: {  	_ =	shalt  }
0x6b: {  	_ =	shalt  }
0x6c: {  	_ =	shalt  }
0x6d: {  	_ =	shalt  }
0x6e: {  	_ =	shalt  }
0x6f: {  	_ =	shalt  }
0x70: {  	_ =	shalt  }
0x71: {  	_ =	shalt  }
0x72: {  	_ =	shalt  }
0x73: {  	_ =	shalt  }
0x74: {  	_ =	shalt  }
0x75: {  	_ =	shalt  }
0x76: {  	_ =	shalt  }
0x77: {  	_ =	shalt  }
0x78: {  	_ =	shalt  }
0x79: {  	_ =	shalt  }
0x7a: {  	_ =	shalt  }
0x7b: {  	_ =	shalt  }
0x7c: {  	_ =	shalt  }
0x7d: {  	_ =	shalt  }
0x7e: {  	_ =	shalt  }
0x7f: {  	_ =	shalt  }
0x80: {  	_ =	shalt  }
0x81: {  	_ =	shalt  }
0x82: {  	_ =	shalt  }
0x83: {  	_ =	shalt  }
0x84: {  	_ =	shalt  }
0x85: {  	_ =	shalt  }
0x86: {  	_ =	shalt  }
0x87: {  	_ =	shalt  }
.Lfunc_end0:
.L_simem_size_0:
called_computation_lowered:
.L_overlay_start_0:
0x88: {  	s2 =	sld [smem:$0x3FD9]  }
0x89: {  	s3 =	sld [smem:$0x3FFE];
	_ =	sdelay $0x1  }
0x8a: {  	s1 =	srdreg.scid  }
0x8b: {  	s0 =	sand.u32 $0x1, s1  }
0x8c: {  	s16 =	sshll.u32 s0, $0xA;
	s2 =	sadd.s32 s3, s2  }
0x8d: {  	s2 =	sadd.s32 s2, s16  }
0x8e: {  	[smem:$0x3FBB] =	sst s2  }
0x8f: {  	_ = 	snop  }
0x90: {  	(tm) =	ssettm $0x1  }
0x91: {  	s17 =	sld [smem:$0x3FFB];
	_ =	sdelay $0x3  }
0x92: {  	_ =	strace s17  }
0x93: {  	s2 =	sld [smem:$0x3FFC];
	_ =	sdelay $0x3  }
0x94: {  	_ =	strace s2  }
0x95: {  	s2 =	sld [smem:$0x3FFD];
	_ =	sdelay $0x3  }
0x96: {  	_ =	strace s2  }
0x97: {  	_ =	strace $0x8FFFFFFF  }
0x98: {  	s18 =	sld [smem:$0x3FDB];
	_ =	sdelay $0x1  }
0x99: {  	s19 =	simm.s32 $_scs_section_size  }
0x9a: {  	s4 =	simm.s32 $_size__tile_overlayer_lowered;
	s5 =	simm.s32 $_tile_overlayer_lowered  }
0x9b: {  	s22 =	simm.s32 $0x1BFF;
	s21 =	sshll.u32 s5, $0x1;
	s2 =	sadd.s32 s19, s18  }
0x9c: {  	s6 =	simm.s32 $0x0;
	s20 =	sshll.u32 s4, $0x1;
	s4 =	sadd.s32 s21, s2  }
0x9d: {  	[timem:s6], [sflag:s22] =	dma.local [hbm:s4], s20  }
0x9e: {  	_ =	swait.ge [sflag:s22], s20  }
0x9f: {  	s3 =	ssub.s32 $0x0, s20;
	[sflag:s22] =	ssyncset.done $0x0  }
0xa0: {  	[sflag:s22] =	ssyncadd.s32 s3;
	_ =	sdelay $0x1  }
0xa1: {  	s23 =	simm.s32 $0x1B8B  }
0xa2: {  	_ =	swait.ge [sflag:s23], $0x1  }
0xa3: {  	[sflag:s23] =	ssyncset.done $0x0  }
0xa4: {  	s25 =	simm.s32 $0x1B8E;
	s24 =	sld [smem:$0x3FFE];
	[sflag:s23] =	ssyncadd.s32 $0xFFFFFFFF  }
0xa5: {  	s26 =	simm.s32 $execute0_lowered;
	[smem:$0x3FD2] =	sst s25  }
0xa6: {  	s4 =	sshll.u32 s26, $0x1;
	_ =	strace $0x80000046;
	[dreg:$0x1] =	wrdreg $0xFFFFFFFF  }
0xa7: {  	s28 =	simm.s32 $_size_execute0_lowered;
	s2 =	sadd.s32 s2, s4;
	[dreg:$0x0] =	wrdreg $0x0  }
0xa8: {  	s4 =	sshll.u32 s28, $0x1;
	[dreg:$0x2] =	wrdreg s2  }
0xa9: {  	[dreg:$0x3] =	wrdreg s4  }
0xaa: {  	[dreg:$0x4] =	wrdreg $0xC0  }
0xab: {  	_ =	task [dreg:s6], $0x5FFFF  }
0xac: {  	[dreg:$0x1] =	wrdreg $0xFFFFFFFF  }
0xad: {  	[dreg:$0x0] =	wrdreg $0x60  }
0xae: {  	[dreg:$0x2] =	wrdreg s24  }
0xaf: {  	[dreg:$0x3] =	wrdreg $0x41000  }
0xb0: {  	[dreg:$0x4] =	wrdreg $0x9  }
0xb1: {  	_ =	task.clear_ibuf [dreg:s6], $0x5FFFF;
	_ =	strace $0x90000046  }
0xb2: {  	s29 =	simm.s32 $0x9;
	_ =	strace $0x80000048  }
0xb3: {  	_ =	swait.ge [sflag:s29], $0x1  }
0xb4: {  	[sflag:s29] =	ssyncadd.s32 $0xFFFFFFFF  }
0xb5: {  	_ =	strace $0x90000048  }
0xb6: {  	_ =	sfence  }
0xb7: {  	s30 =	sld [smem:$0x0];
	_ =	sdelay $0x2  }
0xb8: {  	s31 =	sshll.u32 s1, $0xD;
	s1 =	sshrl.u32 s1, $0x2  }
0xb9: {  	s3 =	sand.u32 $0x4000, s31;
	s1 =	sadd.s32 s1, s30  }
0xba: {  	s0 =	sor.u32 s3, s0;
	s1 =	sshll.u32 s1, $0x11  }
0xbb: {  	s0 =	sor.u32 s1, s0  }
0xbc: {  	s0 =	sadd.s32 $0x8F2B, s0  }
0xbd: {  	[sflag:s0] =	ssyncadd.remote.s32 $0x1  }
0xbe: {  	_ =	sfence.sel $0xFFFF  }
0xbf: {  	[dreg:$0x0] =	wrdreg $0xFFFFFFFF;
	(pc) =	sbr.abs _section_cstart, $3  }
0xc0: {  	[dreg:$0x1] =	wrdreg $0xFFFFFFFF  }
0xc1: {  	_ =	task.clear_ibuf [dreg:s6], $0x2FFFF;
	_ =	strace $0x9FFFFFFF  }
0xc2: {  	(tm) =	ssettm $0x7FFFFFFF  }
0xc3: {  	_ =	shalt  }
tec
execute0_lowered:
.L_overlay_start_1:
0x0: {  	(tag) =	ssettag $0x1  }
0x1: {  	s5 =	rddreg [dreg:$0x0];
	s0 =	srdreg.scid  }
0x2: {  	s2 =	rddreg [dreg:$0x1];
	s1 =	stileid.u32;
	s3 =	simm.s32 $0x0  }
0x3: {  	s15 =	simm.s32 $0x2;
	s16 =	simm.s32 $0x80;
	s7 =	smul.u32 $0x14000, s1  }
0x4: {  	s17 =	simm.s32 $0x1;
	s20 =	simm.s32 $0x0;
	s9 =	smul.u32 $0x50000, s1  }
0x5: {  	s6 =	sand.u32 $0x1, s0;
	s0 =	rddreg [dreg:$0x2];
	s12 =	smul.u32 $0x4F0, s1  }
0x6: {  	[smem:$0x7FF] =	sst s3;
	s18 =	sshll.u32 s1, $0x6;
	s4 =	smul.u32 $0x140000, s6  }
0x7: {  	s8 =	smul.u32 $0x4F00, s6;
	_ =	strace $0x80000047;
	s6 =	ssub.s32 $0x2, s6  }
0x8: {  	s18 =	sor.u32 $0x1C02, s18;
	s30 =	sshrl.u32 s9, $0x2;
	s31 =	sshrl.u32 s6, $0x1  }
0x9: {  	s7 =	sadd.s32 s7, s4;
	s4 =	sadd.s32 $0x17200, s5;
	s10 =	sadd.s32 s8, s5  }
0xa: {  	s13 =	ssub.s32 s6, s31;
	s7 =	sshrl.u32 s7, $0x3;
	s14 =	sadd.s32 s12, s10  }
0xb: {  	s11 =	sadd.s32 s7, s5;
	s5 =	sadd.s32 s30, s2;
	s12 =	sadd.s32 $0xD400, s14  }
0xc: {  	s6 =	sadd.s32 $0x4000, s5;
	s7 =	sadd.s32 $0x8000, s5;
	s8 =	sadd.s32 $0xC000, s5  }
0xd: {  	s9 =	sadd.s32 $0x10000, s5;
	s10 =	sadd.s32 $0x3E400, s11;
	s11 =	smax.u32 s13, $0x1  }
0xe: {  	v0 =	vimm.f32 $0.0e+00;
	s13 =	sadd.s32 $0x3600, s14;
	s14 =	simm.s32 $0x100;
	s19 =	sshrl.u32 s5, $0x3  }
.LBB2_1:
0xf: {  	s21 =	simm.s32 $0x0;
	s22 =	simm.s32 $0x200  }
.LBB2_2:
0x10: {  	p0 =	sne.s32 s22, $0xFE00;
	[tilespmem:s21+$0x170] =	vst v0  }
0x11: {  	[tilespmem:s21+$0x100] =	vst v0  }
0x12: {  	[tilespmem:s21+$0x110] =	vst v0  }
.Ltmp0:
0x13: {  	[tilespmem:s21+$0x120] =	vst v0;
	(pc) =	sbr.rel @p0 .LBB2_2-.Ltmp0, $4  }
0x14: {  	[tilespmem:s21+$0x130] =	vst v0  }
0x15: {  	[tilespmem:s21+$0x140] =	vst v0  }
0x16: {  	[tilespmem:s21+$0x150] =	vst v0  }
0x17: {  	[tilespmem:s21+$0x160] =	vst v0;
	s21 =	sshra.s32 s22, $0x2;
	s22 =	sadd.s32 $0x200, s22  }
0x18: {  	[tilespmem:s21+$0x170] =	vst v0  }
0x19: {  	[tilespmem:s21+$0x100] =	vst v0  }
0x1a: {  	[tilespmem:s21+$0x110] =	vst v0  }
0x1b: {  	[tilespmem:s21+$0x120] =	vst v0  }
0x1c: {  	[tilespmem:s21+$0x130] =	vst v0  }
0x1d: {  	[tilespmem:s21+$0x140] =	vst v0  }
0x1e: {  	[tilespmem:s21+$0x150] =	vst v0  }
0x1f: {  	[tilespmem:s21+$0x160] =	vst v0  }
0x20: {  	[spmem:s5] =	stream.linear.scatter [tilespmem:s14], [sflag:$0x2], $0x4000, $0x38;
	[tilespmem:$0x18100] =	vst v63  }
0x21: {  	_ =	swait.ge [sflag:s15], $0x4000  }
0x22: {  	[sflag:s15] =	ssyncset.done $0x0  }
0x23: {  	[sflag:s15] =	ssyncadd.s32 $0xFFFFC000  }
0x24: {  	[spmem:s6] =	stream.linear.scatter [tilespmem:s14], [sflag:$0x2], $0x4000, $0x38;
	[tilespmem:$0x18100] =	vst v63  }
0x25: {  	_ =	swait.ge [sflag:s15], $0x4000  }
0x26: {  	[sflag:s15] =	ssyncset.done $0x0  }
0x27: {  	[sflag:s15] =	ssyncadd.s32 $0xFFFFC000  }
0x28: {  	[spmem:s7] =	stream.linear.scatter [tilespmem:s14], [sflag:$0x2], $0x4000, $0x38;
	[tilespmem:$0x18100] =	vst v63  }
0x29: {  	_ =	swait.ge [sflag:s15], $0x4000  }
0x2a: {  	[sflag:s15] =	ssyncset.done $0x0  }
0x2b: {  	[sflag:s15] =	ssyncadd.s32 $0xFFFFC000  }
0x2c: {  	[spmem:s8] =	stream.linear.scatter [tilespmem:s14], [sflag:$0x2], $0x4000, $0x38;
	[tilespmem:$0x18100] =	vst v63  }
0x2d: {  	_ =	swait.ge [sflag:s15], $0x4000  }
0x2e: {  	[sflag:s15] =	ssyncset.done $0x0  }
0x2f: {  	[sflag:s15] =	ssyncadd.s32 $0xFFFFC000  }
0x30: {  	[spmem:s9] =	stream.linear.scatter [tilespmem:s14], [sflag:$0x2], $0x4000, $0x38;
	[tilespmem:$0x18100] =	vst v63  }
0x31: {  	_ =	swait.ge [sflag:s15], $0x4000  }
0x32: {  	[sflag:s15] =	ssyncset.done $0x0  }
0x33: {  	[sflag:s15] =	ssyncadd.s32 $0xFFFFC000  }
0x34: {  	s30 =	sadd.s32 $0x0, s13;
	[bflag:$0x0] =	sbarrier.arrive $0xFFFF  }
0x35: {  	[tilespmem:s3], [sflag:$0x2] =	stream.linear.gather [hbm4b:s30+s3], $0x80, $0x38;
	[tilespmem:$0x18100] =	vst v63  }
0x36: {  	_ =	swait.ge [sflag:s15], $0x80  }
0x37: {  	[sflag:s15] =	ssyncset.done $0x0  }
0x38: {  	s31 =	sadd.s32 $0x0, s12;
	[sflag:s15] =	ssyncadd.s32 $0xFFFFFF80  }
0x39: {  	[tilespmem:s16], [sflag:$0x2] =	stream.linear.gather [hbm4b:s31+s3], $0x80, $0x38;
	[tilespmem:$0x18100] =	vst v63  }
0x3a: {  	_ =	swait.ge [sflag:s15], $0x80  }
0x3b: {  	[sflag:s15] =	ssyncset.done $0x0  }
0x3c: {  	[sflag:s15] =	ssyncadd.s32 $0xFFFFFF80  }
0x3d: {  	[tilespmem:s14], [sflag:$0x1] =	stream.indirect.gather [hbm4b:s4+s16], $0x80, s3, s16, $0xb8;
	[tilespmem:$0x18100] =	vst v63  }
0x3e: {  	_ =	swait.ge [sflag:s17], $0x4000  }
0x3f: {  	[sflag:s17] =	ssyncset.done $0x0  }
0x40: {  	[sflag:s17] =	ssyncadd.s32 $0xFFFFC000  }
0x41: {  	[spmem:s2] =	stream.indirect.scatter.add.f32 [tilespmem:s14], [sflag:$0x2], $0x80, s16, s16, $0xb8;
	[tilespmem:$0x18100] =	vst v63  }
0x42: {  	_ =	swait.ge [sflag:s15], $0x4000  }
0x43: {  	s21 =	simm.s32 $0x10;
	s22 =	simm.s32 $0x20;
	[sflag:s15] =	ssyncset.done $0x0  }
.LBB2_4:
0x44: {  	s23 =	sadd.s32 s21, s13  }
0x45: {  	[sflag:s15] =	ssyncadd.s32 $0xFFFFC000;
	s24 =	smov.u32 s22;
	s25 =	sadd.s32 $0x10, s22  }
0x46: {  	[tilespmem:s3], [sflag:$0x2] =	stream.linear.gather [hbm4b:s23+s3], $0x80, $0x38;
	[tilespmem:$0x18100] =	vst v63  }
0x47: {  	p0 =	sne.s32 s22, $0x4E0;
	_ =	swait.ge [sflag:s15], $0x80  }
0x48: {  	[sflag:s15] =	ssyncset.done $0x0  }
0x49: {  	s22 =	sadd.s32 s21, s12;
	s21 =	smov.u32 s24;
	[sflag:s15] =	ssyncadd.s32 $0xFFFFFF80  }
0x4a: {  	[tilespmem:s16], [sflag:$0x2] =	stream.linear.gather [hbm4b:s22+s3], $0x80, $0x38;
	[tilespmem:$0x18100] =	vst v63  }
0x4b: {  	_ =	swait.ge [sflag:s15], $0x80  }
0x4c: {  	[sflag:s15] =	ssyncset.done $0x0  }
0x4d: {  	[sflag:s15] =	ssyncadd.s32 $0xFFFFFF80  }
0x4e: {  	[tilespmem:s14], [sflag:$0x1] =	stream.indirect.gather [hbm4b:s4+s16], $0x80, s3, s16, $0xb8;
	[tilespmem:$0x18100] =	vst v63  }
0x4f: {  	_ =	swait.ge [sflag:s17], $0x4000  }
.Ltmp1:
0x50: {  	[sflag:s17] =	ssyncset.done $0x0;
	(pc) =	sbr.rel @p0 .LBB2_4-.Ltmp1, $4  }
0x51: {  	[sflag:s17] =	ssyncadd.s32 $0xFFFFC000  }
0x52: {  	[spmem:s2] =	stream.indirect.scatter.add.f32 [tilespmem:s14], [sflag:$0x2], $0x80, s16, s16, $0xb8;
	[tilespmem:$0x18100] =	vst v63  }
0x53: {  	_ =	swait.ge [sflag:s15], $0x4000  }
0x54: {  	s22 =	smov.u32 s25;
	[sflag:s15] =	ssyncset.done $0x0  }
0x55: {  	s22 =	sadd.s32 s21, s13;
	[sflag:s15] =	ssyncadd.s32 $0xFFFFC000  }
0x56: {  	[tilespmem:s3], [sflag:$0x2] =	stream.linear.gather [hbm4b:s22+s3], $0x80, $0x38;
	[tilespmem:$0x18100] =	vst v63  }
0x57: {  	_ =	swait.ge [sflag:s15], $0x80  }
0x58: {  	[sflag:s15] =	ssyncset.done $0x0  }
0x59: {  	s31 =	sadd.s32 s21, s12;
	[sflag:s15] =	ssyncadd.s32 $0xFFFFFF80  }
0x5a: {  	[tilespmem:s16], [sflag:$0x2] =	stream.linear.gather [hbm4b:s31+s3], $0x80, $0x38;
	[tilespmem:$0x18100] =	vst v63  }
0x5b: {  	_ =	swait.ge [sflag:s15], $0x80  }
0x5c: {  	[sflag:s15] =	ssyncset.done $0x0  }
0x5d: {  	[sflag:s15] =	ssyncadd.s32 $0xFFFFFF80  }
0x5e: {  	[tilespmem:s14], [sflag:$0x1] =	stream.indirect.gather [hbm4b:s4+s16], $0x80, s3, s16, $0xb8;
	[tilespmem:$0x18100] =	vst v63  }
0x5f: {  	_ =	swait.ge [sflag:s17], $0x4000  }
0x60: {  	[sflag:s17] =	ssyncset.done $0x0  }
0x61: {  	[sflag:s17] =	ssyncadd.s32 $0xFFFFC000  }
0x62: {  	[spmem:s2] =	stream.indirect.scatter.add.f32 [tilespmem:s14], [sflag:$0x2], $0x80, s16, s16, $0xb8;
	[tilespmem:$0x18100] =	vst v63  }
0x63: {  	_ =	swait.ge [sflag:s15], $0x4000  }
0x64: {  	s20 =	sadd.s32 $0x1, s20;
	[sflag:s15] =	ssyncset.done $0x0  }
0x65: {  	p0 =	sne.s32 s20, s11;
	[sflag:s15] =	ssyncadd.s32 $0xFFFFC000  }
.Ltmp2:
0x66: {  	[bflag:$0x0] =	sbarrier.arrive $0xFFFF;
	(pc) =	sbr.rel @p0 .LBB2_1-.Ltmp2, $4  }
0x67: {  	[hbm:s10], [sflag:s18] =	dma.local [spmem:s19], $0x2800  }
0x68: {  	_ =	swait.ge [sflag:s15], $0x2800  }
0x69: {  	[sflag:s15] =	ssyncset.done $0x0  }
0x6a: {  	[sflag:s15] =	ssyncadd.s32 $0xFFFFD800  }
0x6b: {  	_ =	sfence.sel $0x180000  }
0x6c: {  	[bflag:$0x0] =	sbarrier.arrive $0xFFFF  }
0x6d: {  	p0 =	sne.s32 s1, $0x0;
	_ =	strace $0x90000047  }
0x6e: {  	s0 =	sadd.s32 @!p0 $0x100000, s0;
	[bflag:$0x2] =	sbarrier.arrive $0xFFFF  }
0x6f: {  	[sflag:s0] =	ssyncadd.tile.s32 @!p0 $0x1;
	_ =	shalt  }
.Lfunc_end2:
_tile_overlayer_lowered:
.L_overlay_start_2:
0x70: {  	(tag) =	ssettag $0x2  }
0x71: {  	s0 =	rddreg [dreg:$0x0];
	s2 =	stileid.u32  }
0x72: {  	s1 =	rddreg [dreg:$0x1];
	p0 =	sne.s32 s2, $0x0  }
0x73: {  	s3 =	rddreg [dreg:$0x2];
	[bflag:$0x3] =	sbarrier.arrive $0xFFFF;
	s2 =	simm.s32 @!p0 $0x1C02  }
0x74: {  	[timem:s3], [sflag:s2] =	dma.local @!p0 [hbm:s0], s1  }
0x75: {  	s0 =	simm.s32 @!p0 $0x2  }
0x76: {  	_ =	swait.ge @!p0 [sflag:s0], s1  }
0x77: {  	s1 =	ssub.s32 @!p0 $0x0, s1;
	[sflag:s0] =	ssyncset.done @!p0 $0x0  }
0x78: {  	[sflag:s0] =	ssyncadd.s32 @!p0 s1  }
0x79: {  	[bflag:$0x3] =	sbarrier.arrive $0xFFFF  }
0x7a: {  	_ =	shalt  }

// kernel: kernel.14.cloned.1.call-start
scs
__scs_entry_jumppad:
0x0: {  	(pc) =	sbr.rel $0x88, $3  }
0x1: {  	(tag) =	ssettag $0x0;
	lr =	simm.s32 $0x1  }
0x2: {  	[smem:$0x3F94] =	sst lr;
	_ =	strace $0xD0000000  }
0x3: {  	_ = 	snop  }
0x4: {  	_ = 	snop  }
0x5: {  	_ = 	snop  }
0x6: {  	_ = 	snop  }
0x7: {  	_ = 	snop  }
__scs_overlays_trampoline_lowered:
0x8: {  	[smem:$0x3FA3] =	sst s0  }
0x9: {  	[smem:$0x3FA4] =	sst s1  }
0xa: {  	[smem:$0x3FA5] =	sst s2  }
0xb: {  	[smem:$0x3FA6] =	sst s3  }
0xc: {  	[smem:$0x3FA7] =	sst s4  }
0xd: {  	[smem:$0x3FA8] =	sst s5  }
0xe: {  	[smem:$0x3FA9] =	sst s6  }
0xf: {  	[smem:$0x3FAA] =	sst s7  }
0x10: {  	[smem:$0x3FAB] =	sst s8  }
0x11: {  	[smem:$0x3FAC] =	sst s9;
	s0 =	simm.s32 @!p0 $0x0  }
0x12: {  	s1 =	sld [smem:$0x3F92];
	s0 =	simm.s32 @p0 $0x1  }
0x13: {  	[smem:$0x3FAD] =	sst s0;
	s0 =	simm.s32 @!p1 $0x0  }
0x14: {  	s2 =	sld [smem:$0x3F91];
	s0 =	simm.s32 @p1 $0x1  }
0x15: {  	[smem:$0x3FAE] =	sst s0;
	s0 =	simm.s32 @!p2 $0x0  }
0x16: {  	s3 =	sld [smem:$0x3FDB];
	s0 =	simm.s32 @p2 $0x1  }
0x17: {  	s4 =	simm.s32 $0x1BF5;
	[smem:$0x3FB0] =	sst s0  }
0x18: {  	s0 =	sld [smem:$0x3F93];
	_ =	swait.ge [sflag:s4], $0x0  }
0x19: {  	s7 =	sld [smem:$0x3F94]  }
0x1a: {  	s8 =	sadd.s32 $0xFFFFE003, lr  }
0x1b: {  	s9 =	sadd.s32 $0xFFFFFEF7, lr;
	s5 =	simm.s32 $0xFFFFFFFF;
	p2 =	slt.u32 s8, $0xFFFFF086  }
0x1c: {  	p1 =	slt.u32 s9, $0xF7A;
	s5 =	simm.s32 @!p2 $0x0  }
0x1d: {  	s5 =	simm.s32 @p1 $0x1;
	p0 =	seq.s32 s7, s2  }
0x1e: {  	s7 =	smul.u32 @!p0 $0xF7A, s2;
	p2 =	seq.s32 @!p0 s5, $0x0  }
0x1f: {  	s9 =	smul.u32 $0xF7A, s1;
	s8 =	simm.s32 @!p0 $0x1BF5;
	p2 =	por !p2, p0  }
0x20: {  	[sflag:s8] =	ssyncset.s32 @!p0 $0xFFFFF086;
	s6 =	sadd.s32 @!p0 s3, s7;
	s7 =	simm.s32 @!p0 $0x108  }
0x21: {  	s3 =	sadd.s32 s3, s9;
	s6 =	sadd.s32 @!p0 $0x88, s6;
	s7 =	simm.s32 @p2 $0x1082  }
0x22: {  	[simem:s7], [sflag:s8] =	dma.local @!p0 [hbm:s6], $0xF7A  }
0x23: {  	s9 =	sor.u32 $0xD0000000, s2;
	s6 =	simm.s32 $0x108;
	_ =	swait.ge @!p0 [sflag:s8], $0x0  }
0x24: {  	s3 =	sadd.s32 $0x88, s3;
	s6 =	simm.s32 @!p1 $0x1082;
	[sflag:s4] =	ssyncset.s32 $0xFFFFF086  }
0x25: {  	[simem:s6], [sflag:s4] =	dma.local [hbm:s3], $0xF7A  }
0x26: {  	[smem:$0x3F94] =	sst s1;
	(tag) =	ssettag s2;
	_ =	strace s9  }
0x27: {  	s1 =	sld [smem:$0x3FA4]  }
0x28: {  	s2 =	sld [smem:$0x3FA5]  }
0x29: {  	s4 =	sld [smem:$0x3FA7]  }
0x2a: {  	p0 =	seq.s32 s5, $0x0;
	s5 =	sld [smem:$0x3FA8]  }
0x2b: {  	s6 =	sld [smem:$0x3FA9]  }
0x2c: {  	s7 =	sld [smem:$0x3FAA]  }
0x2d: {  	s3 =	simm.s32 $0x108;
	s8 =	sld [smem:$0x3FAB]  }
0x2e: {  	s3 =	simm.s32 @!p0 $0x1082;
	s9 =	sld [smem:$0x3FAC]  }
0x2f: {  	lr =	sadd.s32 s0, s3;
	s0 =	sld [smem:$0x3FA3]  }
0x30: {  	s3 =	sld [smem:$0x3FA6]  }
0x31: {  	[smem:$0x3FAF] =	sst s10  }
0x32: {  	s10 =	sld [smem:$0x3FAD];
	_ =	sdelay $0x3  }
0x33: {  	p0 =	seq.s32 s10, $0x1;
	s10 =	sld [smem:$0x3FAF];
	_ =	sdelay $0x3  }
0x34: {  	[smem:$0x3FAF] =	sst s10  }
0x35: {  	s10 =	sld [smem:$0x3FAE];
	_ =	sdelay $0x3  }
0x36: {  	p1 =	seq.s32 s10, $0x1;
	s10 =	sld [smem:$0x3FAF];
	_ =	sdelay $0x3  }
0x37: {  	[smem:$0x3FAF] =	sst s10  }
0x38: {  	s10 =	sld [smem:$0x3FB0]  }
0x39: {  	_ = 	snop;
	(pc) =	sbr.ind lr, $3  }
0x3a: {  	_ = 	snop  }
0x3b: {  	_ = 	snop  }
0x3c: {  	p2 =	seq.s32 s10, $0x1;
	s10 =	sld [smem:$0x3FAF]  }
0x3d: {  	_ =	shalt  }
0x3e: {  	_ =	shalt  }
0x3f: {  	_ =	shalt  }
0x40: {  	_ =	shalt  }
0x41: {  	_ =	shalt  }
0x42: {  	_ =	shalt  }
0x43: {  	_ =	shalt  }
0x44: {  	_ =	shalt  }
0x45: {  	_ =	shalt  }
0x46: {  	_ =	shalt  }
0x47: {  	_ =	shalt  }
0x48: {  	_ =	shalt  }
0x49: {  	_ =	shalt  }
0x4a: {  	_ =	shalt  }
0x4b: {  	_ =	shalt  }
0x4c: {  	_ =	shalt  }
0x4d: {  	_ =	shalt  }
0x4e: {  	_ =	shalt  }
0x4f: {  	_ =	shalt  }
0x50: {  	_ =	shalt  }
0x51: {  	_ =	shalt  }
0x52: {  	_ =	shalt  }
0x53: {  	_ =	shalt  }
0x54: {  	_ =	shalt  }
0x55: {  	_ =	shalt  }
0x56: {  	_ =	shalt  }
0x57: {  	_ =	shalt  }
0x58: {  	_ =	shalt  }
0x59: {  	_ =	shalt  }
0x5a: {  	_ =	shalt  }
0x5b: {  	_ =	shalt  }
0x5c: {  	_ =	shalt  }
0x5d: {  	_ =	shalt  }
0x5e: {  	_ =	shalt  }
0x5f: {  	_ =	shalt  }
0x60: {  	_ =	shalt  }
0x61: {  	_ =	shalt  }
0x62: {  	_ =	shalt  }
0x63: {  	_ =	shalt  }
0x64: {  	_ =	shalt  }
0x65: {  	_ =	shalt  }
0x66: {  	_ =	shalt  }
0x67: {  	_ =	shalt  }
0x68: {  	_ =	shalt  }
0x69: {  	_ =	shalt  }
0x6a: {  	_ =	shalt  }
0x6b: {  	_ =	shalt  }
0x6c: {  	_ =	shalt  }
0x6d: {  	_ =	shalt  }
0x6e: {  	_ =	shalt  }
0x6f: {  	_ =	shalt  }
0x70: {  	_ =	shalt  }
0x71: {  	_ =	shalt  }
0x72: {  	_ =	shalt  }
0x73: {  	_ =	shalt  }
0x74: {  	_ =	shalt  }
0x75: {  	_ =	shalt  }
0x76: {  	_ =	shalt  }
0x77: {  	_ =	shalt  }
0x78: {  	_ =	shalt  }
0x79: {  	_ =	shalt  }
0x7a: {  	_ =	shalt  }
0x7b: {  	_ =	shalt  }
0x7c: {  	_ =	shalt  }
0x7d: {  	_ =	shalt  }
0x7e: {  	_ =	shalt  }
0x7f: {  	_ =	shalt  }
0x80: {  	_ =	shalt  }
0x81: {  	_ =	shalt  }
0x82: {  	_ =	shalt  }
0x83: {  	_ =	shalt  }
0x84: {  	_ =	shalt  }
0x85: {  	_ =	shalt  }
0x86: {  	_ =	shalt  }
0x87: {  	_ =	shalt  }
.Lfunc_end0:
.L_simem_size_0:
called_computation.1_lowered:
.L_overlay_start_0:
0x88: {  	s2 =	sld [smem:$0x3FD9]  }
0x89: {  	s3 =	sld [smem:$0x3FFE];
	_ =	sdelay $0x1  }
0x8a: {  	s1 =	srdreg.scid  }
0x8b: {  	s0 =	sand.u32 $0x1, s1  }
0x8c: {  	s16 =	sshll.u32 s0, $0xA;
	s2 =	sadd.s32 s3, s2  }
0x8d: {  	s2 =	sadd.s32 s2, s16  }
0x8e: {  	[smem:$0x3FBB] =	sst s2  }
0x8f: {  	_ = 	snop  }
0x90: {  	(tm) =	ssettm $0x1  }
0x91: {  	s17 =	sld [smem:$0x3FFB];
	_ =	sdelay $0x3  }
0x92: {  	_ =	strace s17  }
0x93: {  	s2 =	sld [smem:$0x3FFC];
	_ =	sdelay $0x3  }
0x94: {  	_ =	strace s2  }
0x95: {  	s2 =	sld [smem:$0x3FFD];
	_ =	sdelay $0x3  }
0x96: {  	_ =	strace s2  }
0x97: {  	_ =	strace $0x8FFFFFFF  }
0x98: {  	s18 =	sld [smem:$0x3FDB];
	_ =	sdelay $0x1  }
0x99: {  	s19 =	simm.s32 $_scs_section_size  }
0x9a: {  	s4 =	simm.s32 $_size__tile_overlayer_lowered;
	s5 =	simm.s32 $_tile_overlayer_lowered  }
0x9b: {  	s22 =	simm.s32 $0x1BFF;
	s21 =	sshll.u32 s5, $0x1;
	s2 =	sadd.s32 s19, s18  }
0x9c: {  	s6 =	simm.s32 $0x0;
	s20 =	sshll.u32 s4, $0x1;
	s4 =	sadd.s32 s21, s2  }
0x9d: {  	[timem:s6], [sflag:s22] =	dma.local [hbm:s4], s20  }
0x9e: {  	_ =	swait.ge [sflag:s22], s20  }
0x9f: {  	s3 =	ssub.s32 $0x0, s20;
	[sflag:s22] =	ssyncset.done $0x0  }
0xa0: {  	[sflag:s22] =	ssyncadd.s32 s3;
	_ =	sdelay $0x1  }
0xa1: {  	s23 =	simm.s32 $0x1B8B  }
0xa2: {  	_ =	swait.ge [sflag:s23], $0x1  }
0xa3: {  	[sflag:s23] =	ssyncset.done $0x0  }
0xa4: {  	s25 =	simm.s32 $0x1B8E;
	s24 =	sld [smem:$0x3FFE];
	[sflag:s23] =	ssyncadd.s32 $0xFFFFFFFF  }
0xa5: {  	s26 =	simm.s32 $execute0_lowered;
	[smem:$0x3FD2] =	sst s25  }
0xa6: {  	s4 =	sshll.u32 s26, $0x1;
	_ =	strace $0x80000049;
	[dreg:$0x1] =	wrdreg $0xFFFFFFFF  }
0xa7: {  	s28 =	simm.s32 $_size_execute0_lowered;
	s2 =	sadd.s32 s2, s4;
	[dreg:$0x0] =	wrdreg $0x0  }
0xa8: {  	s4 =	sshll.u32 s28, $0x1;
	[dreg:$0x2] =	wrdreg s2  }
0xa9: {  	[dreg:$0x3] =	wrdreg s4  }
0xaa: {  	[dreg:$0x4] =	wrdreg $0xC0  }
0xab: {  	_ =	task [dreg:s6], $0x5FFFF  }
0xac: {  	[dreg:$0x1] =	wrdreg $0xFFFFFFFF  }
0xad: {  	[dreg:$0x0] =	wrdreg $0x60  }
0xae: {  	[dreg:$0x2] =	wrdreg s24  }
0xaf: {  	[dreg:$0x3] =	wrdreg $0x41000  }
0xb0: {  	[dreg:$0x4] =	wrdreg $0x9  }
0xb1: {  	_ =	task.clear_ibuf [dreg:s6], $0x5FFFF;
	_ =	strace $0x90000049  }
0xb2: {  	s29 =	simm.s32 $0x9;
	_ =	strace $0x8000004B  }
0xb3: {  	_ =	swait.ge [sflag:s29], $0x1  }
0xb4: {  	[sflag:s29] =	ssyncadd.s32 $0xFFFFFFFF  }
0xb5: {  	_ =	strace $0x9000004B  }
0xb6: {  	_ =	sfence  }
0xb7: {  	s30 =	sld [smem:$0x0];
	_ =	sdelay $0x2  }
0xb8: {  	s31 =	sshll.u32 s1, $0xD;
	s1 =	sshrl.u32 s1, $0x2  }
0xb9: {  	s3 =	sand.u32 $0x4000, s31;
	s1 =	sadd.s32 s1, s30  }
0xba: {  	s0 =	sor.u32 s3, s0;
	s1 =	sshll.u32 s1, $0x11  }
0xbb: {  	s0 =	sor.u32 s1, s0  }
0xbc: {  	s0 =	sadd.s32 $0x8F2B, s0  }
0xbd: {  	[sflag:s0] =	ssyncadd.remote.s32 $0x1  }
0xbe: {  	_ =	sfence.sel $0xFFFF  }
0xbf: {  	[dreg:$0x0] =	wrdreg $0xFFFFFFFF;
	(pc) =	sbr.abs _section_cstart, $3  }
0xc0: {  	[dreg:$0x1] =	wrdreg $0xFFFFFFFF  }
0xc1: {  	_ =	task.clear_ibuf [dreg:s6], $0x2FFFF;
	_ =	strace $0x9FFFFFFF  }
0xc2: {  	(tm) =	ssettm $0x7FFFFFFF  }
0xc3: {  	_ =	shalt  }
tec
execute0_lowered:
.L_overlay_start_1:
0x0: {  	(tag) =	ssettag $0x1  }
0x1: {  	s5 =	rddreg [dreg:$0x0];
	s0 =	srdreg.scid  }
0x2: {  	s2 =	rddreg [dreg:$0x1];
	s1 =	stileid.u32;
	s3 =	simm.s32 $0x0  }
0x3: {  	s15 =	simm.s32 $0x2;
	s16 =	simm.s32 $0x80;
	s7 =	smul.u32 $0x14000, s1  }
0x4: {  	s17 =	simm.s32 $0x1;
	s20 =	simm.s32 $0x0;
	s9 =	smul.u32 $0x50000, s1  }
0x5: {  	s6 =	sand.u32 $0x1, s0;
	s0 =	rddreg [dreg:$0x2];
	s12 =	smul.u32 $0x4F0, s1  }
0x6: {  	[smem:$0x7FF] =	sst s3;
	s18 =	sshll.u32 s1, $0x6;
	s4 =	smul.u32 $0x140000, s6  }
0x7: {  	s8 =	smul.u32 $0x4F00, s6;
	_ =	strace $0x8000004A;
	s6 =	ssub.s32 $0x2, s6  }
0x8: {  	s18 =	sor.u32 $0x1C02, s18;
	s30 =	sshrl.u32 s9, $0x2;
	s31 =	sshrl.u32 s6, $0x1  }
0x9: {  	s7 =	sadd.s32 s7, s4;
	s4 =	sadd.s32 $0x17200, s5;
	s10 =	sadd.s32 s8, s5  }
0xa: {  	s13 =	ssub.s32 s6, s31;
	s7 =	sshrl.u32 s7, $0x3;
	s14 =	sadd.s32 s12, s10  }
0xb: {  	s11 =	sadd.s32 s7, s5;
	s5 =	sadd.s32 s30, s2;
	s12 =	sadd.s32 $0xD400, s14  }
0xc: {  	s6 =	sadd.s32 $0x4000, s5;
	s7 =	sadd.s32 $0x8000, s5;
	s8 =	sadd.s32 $0xC000, s5  }
0xd: {  	s9 =	sadd.s32 $0x10000, s5;
	s10 =	sadd.s32 $0x3E400, s11;
	s11 =	smax.u32 s13, $0x1  }
0xe: {  	v0 =	vimm.f32 $0.0e+00;
	s13 =	sadd.s32 $0x3600, s14;
	s14 =	simm.s32 $0x100;
	s19 =	sshrl.u32 s5, $0x3  }
.LBB2_1:
0xf: {  	s21 =	simm.s32 $0x0;
	s22 =	simm.s32 $0x200  }
.LBB2_2:
0x10: {  	p0 =	sne.s32 s22, $0xFE00;
	[tilespmem:s21+$0x170] =	vst v0  }
0x11: {  	[tilespmem:s21+$0x100] =	vst v0  }
0x12: {  	[tilespmem:s21+$0x110] =	vst v0  }
.Ltmp0:
0x13: {  	[tilespmem:s21+$0x120] =	vst v0;
	(pc) =	sbr.rel @p0 .LBB2_2-.Ltmp0, $4  }
0x14: {  	[tilespmem:s21+$0x130] =	vst v0  }
0x15: {  	[tilespmem:s21+$0x140] =	vst v0  }
0x16: {  	[tilespmem:s21+$0x150] =	vst v0  }
0x17: {  	[tilespmem:s21+$0x160] =	vst v0;
	s21 =	sshra.s32 s22, $0x2;
	s22 =	sadd.s32 $0x200, s22  }
0x18: {  	[tilespmem:s21+$0x170] =	vst v0  }
0x19: {  	[tilespmem:s21+$0x100] =	vst v0  }
0x1a: {  	[tilespmem:s21+$0x110] =	vst v0  }
0x1b: {  	[tilespmem:s21+$0x120] =	vst v0  }
0x1c: {  	[tilespmem:s21+$0x130] =	vst v0  }
0x1d: {  	[tilespmem:s21+$0x140] =	vst v0  }
0x1e: {  	[tilespmem:s21+$0x150] =	vst v0  }
0x1f: {  	[tilespmem:s21+$0x160] =	vst v0  }
0x20: {  	[spmem:s5] =	stream.linear.scatter [tilespmem:s14], [sflag:$0x2], $0x4000, $0x38;
	[tilespmem:$0x18100] =	vst v63  }
0x21: {  	_ =	swait.ge [sflag:s15], $0x4000  }
0x22: {  	[sflag:s15] =	ssyncset.done $0x0  }
0x23: {  	[sflag:s15] =	ssyncadd.s32 $0xFFFFC000  }
0x24: {  	[spmem:s6] =	stream.linear.scatter [tilespmem:s14], [sflag:$0x2], $0x4000, $0x38;
	[tilespmem:$0x18100] =	vst v63  }
0x25: {  	_ =	swait.ge [sflag:s15], $0x4000  }
0x26: {  	[sflag:s15] =	ssyncset.done $0x0  }
0x27: {  	[sflag:s15] =	ssyncadd.s32 $0xFFFFC000  }
0x28: {  	[spmem:s7] =	stream.linear.scatter [tilespmem:s14], [sflag:$0x2], $0x4000, $0x38;
	[tilespmem:$0x18100] =	vst v63  }
0x29: {  	_ =	swait.ge [sflag:s15], $0x4000  }
0x2a: {  	[sflag:s15] =	ssyncset.done $0x0  }
0x2b: {  	[sflag:s15] =	ssyncadd.s32 $0xFFFFC000  }
0x2c: {  	[spmem:s8] =	stream.linear.scatter [tilespmem:s14], [sflag:$0x2], $0x4000, $0x38;
	[tilespmem:$0x18100] =	vst v63  }
0x2d: {  	_ =	swait.ge [sflag:s15], $0x4000  }
0x2e: {  	[sflag:s15] =	ssyncset.done $0x0  }
0x2f: {  	[sflag:s15] =	ssyncadd.s32 $0xFFFFC000  }
0x30: {  	[spmem:s9] =	stream.linear.scatter [tilespmem:s14], [sflag:$0x2], $0x4000, $0x38;
	[tilespmem:$0x18100] =	vst v63  }
0x31: {  	_ =	swait.ge [sflag:s15], $0x4000  }
0x32: {  	[sflag:s15] =	ssyncset.done $0x0  }
0x33: {  	[sflag:s15] =	ssyncadd.s32 $0xFFFFC000  }
0x34: {  	s30 =	sadd.s32 $0x0, s13;
	[bflag:$0x0] =	sbarrier.arrive $0xFFFF  }
0x35: {  	[tilespmem:s3], [sflag:$0x2] =	stream.linear.gather [hbm4b:s30+s3], $0x80, $0x38;
	[tilespmem:$0x18100] =	vst v63  }
0x36: {  	_ =	swait.ge [sflag:s15], $0x80  }
0x37: {  	[sflag:s15] =	ssyncset.done $0x0  }
0x38: {  	s31 =	sadd.s32 $0x0, s12;
	[sflag:s15] =	ssyncadd.s32 $0xFFFFFF80  }
0x39: {  	[tilespmem:s16], [sflag:$0x2] =	stream.linear.gather [hbm4b:s31+s3], $0x80, $0x38;
	[tilespmem:$0x18100] =	vst v63  }
0x3a: {  	_ =	swait.ge [sflag:s15], $0x80  }
0x3b: {  	[sflag:s15] =	ssyncset.done $0x0  }
0x3c: {  	[sflag:s15] =	ssyncadd.s32 $0xFFFFFF80  }
0x3d: {  	[tilespmem:s14], [sflag:$0x1] =	stream.indirect.gather [hbm4b:s4+s16], $0x80, s3, s16, $0xb8;
	[tilespmem:$0x18100] =	vst v63  }
0x3e: {  	_ =	swait.ge [sflag:s17], $0x4000  }
0x3f: {  	[sflag:s17] =	ssyncset.done $0x0  }
0x40: {  	[sflag:s17] =	ssyncadd.s32 $0xFFFFC000  }
0x41: {  	[spmem:s2] =	stream.indirect.scatter.add.f32 [tilespmem:s14], [sflag:$0x2], $0x80, s16, s16, $0xb8;
	[tilespmem:$0x18100] =	vst v63  }
0x42: {  	_ =	swait.ge [sflag:s15], $0x4000  }
0x43: {  	s21 =	simm.s32 $0x10;
	s22 =	simm.s32 $0x20;
	[sflag:s15] =	ssyncset.done $0x0  }
.LBB2_4:
0x44: {  	s23 =	sadd.s32 s21, s13  }
0x45: {  	[sflag:s15] =	ssyncadd.s32 $0xFFFFC000;
	s24 =	smov.u32 s22;
	s25 =	sadd.s32 $0x10, s22  }
0x46: {  	[tilespmem:s3], [sflag:$0x2] =	stream.linear.gather [hbm4b:s23+s3], $0x80, $0x38;
	[tilespmem:$0x18100] =	vst v63  }
0x47: {  	p0 =	sne.s32 s22, $0x4E0;
	_ =	swait.ge [sflag:s15], $0x80  }
0x48: {  	[sflag:s15] =	ssyncset.done $0x0  }
0x49: {  	s22 =	sadd.s32 s21, s12;
	s21 =	smov.u32 s24;
	[sflag:s15] =	ssyncadd.s32 $0xFFFFFF80  }
0x4a: {  	[tilespmem:s16], [sflag:$0x2] =	stream.linear.gather [hbm4b:s22+s3], $0x80, $0x38;
	[tilespmem:$0x18100] =	vst v63  }
0x4b: {  	_ =	swait.ge [sflag:s15], $0x80  }
0x4c: {  	[sflag:s15] =	ssyncset.done $0x0  }
0x4d: {  	[sflag:s15] =	ssyncadd.s32 $0xFFFFFF80  }
0x4e: {  	[tilespmem:s14], [sflag:$0x1] =	stream.indirect.gather [hbm4b:s4+s16], $0x80, s3, s16, $0xb8;
	[tilespmem:$0x18100] =	vst v63  }
0x4f: {  	_ =	swait.ge [sflag:s17], $0x4000  }
.Ltmp1:
0x50: {  	[sflag:s17] =	ssyncset.done $0x0;
	(pc) =	sbr.rel @p0 .LBB2_4-.Ltmp1, $4  }
0x51: {  	[sflag:s17] =	ssyncadd.s32 $0xFFFFC000  }
0x52: {  	[spmem:s2] =	stream.indirect.scatter.add.f32 [tilespmem:s14], [sflag:$0x2], $0x80, s16, s16, $0xb8;
	[tilespmem:$0x18100] =	vst v63  }
0x53: {  	_ =	swait.ge [sflag:s15], $0x4000  }
0x54: {  	s22 =	smov.u32 s25;
	[sflag:s15] =	ssyncset.done $0x0  }
0x55: {  	s22 =	sadd.s32 s21, s13;
	[sflag:s15] =	ssyncadd.s32 $0xFFFFC000  }
0x56: {  	[tilespmem:s3], [sflag:$0x2] =	stream.linear.gather [hbm4b:s22+s3], $0x80, $0x38;
	[tilespmem:$0x18100] =	vst v63  }
0x57: {  	_ =	swait.ge [sflag:s15], $0x80  }
0x58: {  	[sflag:s15] =	ssyncset.done $0x0  }
0x59: {  	s31 =	sadd.s32 s21, s12;
	[sflag:s15] =	ssyncadd.s32 $0xFFFFFF80  }
0x5a: {  	[tilespmem:s16], [sflag:$0x2] =	stream.linear.gather [hbm4b:s31+s3], $0x80, $0x38;
	[tilespmem:$0x18100] =	vst v63  }
0x5b: {  	_ =	swait.ge [sflag:s15], $0x80  }
0x5c: {  	[sflag:s15] =	ssyncset.done $0x0  }
0x5d: {  	[sflag:s15] =	ssyncadd.s32 $0xFFFFFF80  }
0x5e: {  	[tilespmem:s14], [sflag:$0x1] =	stream.indirect.gather [hbm4b:s4+s16], $0x80, s3, s16, $0xb8;
	[tilespmem:$0x18100] =	vst v63  }
0x5f: {  	_ =	swait.ge [sflag:s17], $0x4000  }
0x60: {  	[sflag:s17] =	ssyncset.done $0x0  }
0x61: {  	[sflag:s17] =	ssyncadd.s32 $0xFFFFC000  }
0x62: {  	[spmem:s2] =	stream.indirect.scatter.add.f32 [tilespmem:s14], [sflag:$0x2], $0x80, s16, s16, $0xb8;
	[tilespmem:$0x18100] =	vst v63  }
0x63: {  	_ =	swait.ge [sflag:s15], $0x4000  }
0x64: {  	s20 =	sadd.s32 $0x1, s20;
	[sflag:s15] =	ssyncset.done $0x0  }
0x65: {  	p0 =	sne.s32 s20, s11;
	[sflag:s15] =	ssyncadd.s32 $0xFFFFC000  }
.Ltmp2:
0x66: {  	[bflag:$0x0] =	sbarrier.arrive $0xFFFF;
	(pc) =	sbr.rel @p0 .LBB2_1-.Ltmp2, $4  }
0x67: {  	[hbm:s10], [sflag:s18] =	dma.local [spmem:s19], $0x2800  }
0x68: {  	_ =	swait.ge [sflag:s15], $0x2800  }
0x69: {  	[sflag:s15] =	ssyncset.done $0x0  }
0x6a: {  	[sflag:s15] =	ssyncadd.s32 $0xFFFFD800  }
0x6b: {  	_ =	sfence.sel $0x180000  }
0x6c: {  	[bflag:$0x0] =	sbarrier.arrive $0xFFFF  }
0x6d: {  	p0 =	sne.s32 s1, $0x0;
	_ =	strace $0x9000004A  }
0x6e: {  	s0 =	sadd.s32 @!p0 $0x100000, s0;
	[bflag:$0x2] =	sbarrier.arrive $0xFFFF  }
0x6f: {  	[sflag:s0] =	ssyncadd.tile.s32 @!p0 $0x1;
	_ =	shalt  }
.Lfunc_end2:
_tile_overlayer_lowered:
.L_overlay_start_2:
0x70: {  	(tag) =	ssettag $0x2  }
0x71: {  	s0 =	rddreg [dreg:$0x0];
	s2 =	stileid.u32  }
0x72: {  	s1 =	rddreg [dreg:$0x1];
	p0 =	sne.s32 s2, $0x0  }
0x73: {  	s3 =	rddreg [dreg:$0x2];
	[bflag:$0x3] =	sbarrier.arrive $0xFFFF;
	s2 =	simm.s32 @!p0 $0x1C02  }
0x74: {  	[timem:s3], [sflag:s2] =	dma.local @!p0 [hbm:s0], s1  }
0x75: {  	s0 =	simm.s32 @!p0 $0x2  }
0x76: {  	_ =	swait.ge @!p0 [sflag:s0], s1  }
0x77: {  	s1 =	ssub.s32 @!p0 $0x0, s1;
	[sflag:s0] =	ssyncset.done @!p0 $0x0  }
0x78: {  	[sflag:s0] =	ssyncadd.s32 @!p0 s1  }
0x79: {  	[bflag:$0x3] =	sbarrier.arrive $0xFFFF  }
0x7a: {  	_ =	shalt  }

// kernel: kernel.17.cloned.1.call-start
scs
__scs_entry_jumppad:
0x0: {  	(pc) =	sbr.rel $0x88, $3  }
0x1: {  	(tag) =	ssettag $0x0;
	lr =	simm.s32 $0x1  }
0x2: {  	[smem:$0x3F94] =	sst lr;
	_ =	strace $0xD0000000  }
0x3: {  	_ = 	snop  }
0x4: {  	_ = 	snop  }
0x5: {  	_ = 	snop  }
0x6: {  	_ = 	snop  }
0x7: {  	_ = 	snop  }
__scs_overlays_trampoline_lowered:
0x8: {  	[smem:$0x3FA3] =	sst s0  }
0x9: {  	[smem:$0x3FA4] =	sst s1  }
0xa: {  	[smem:$0x3FA5] =	sst s2  }
0xb: {  	[smem:$0x3FA6] =	sst s3  }
0xc: {  	[smem:$0x3FA7] =	sst s4  }
0xd: {  	[smem:$0x3FA8] =	sst s5  }
0xe: {  	[smem:$0x3FA9] =	sst s6  }
0xf: {  	[smem:$0x3FAA] =	sst s7  }
0x10: {  	[smem:$0x3FAB] =	sst s8  }
0x11: {  	[smem:$0x3FAC] =	sst s9;
	s0 =	simm.s32 @!p0 $0x0  }
0x12: {  	s1 =	sld [smem:$0x3F92];
	s0 =	simm.s32 @p0 $0x1  }
0x13: {  	[smem:$0x3FAD] =	sst s0;
	s0 =	simm.s32 @!p1 $0x0  }
0x14: {  	s2 =	sld [smem:$0x3F91];
	s0 =	simm.s32 @p1 $0x1  }
0x15: {  	[smem:$0x3FAE] =	sst s0;
	s0 =	simm.s32 @!p2 $0x0  }
0x16: {  	s3 =	sld [smem:$0x3FDB];
	s0 =	simm.s32 @p2 $0x1  }
0x17: {  	s4 =	simm.s32 $0x1BF5;
	[smem:$0x3FB0] =	sst s0  }
0x18: {  	s0 =	sld [smem:$0x3F93];
	_ =	swait.ge [sflag:s4], $0x0  }
0x19: {  	s7 =	sld [smem:$0x3F94]  }
0x1a: {  	s8 =	sadd.s32 $0xFFFFE003, lr  }
0x1b: {  	s9 =	sadd.s32 $0xFFFFFEF7, lr;
	s5 =	simm.s32 $0xFFFFFFFF;
	p2 =	slt.u32 s8, $0xFFFFF086  }
0x1c: {  	p1 =	slt.u32 s9, $0xF7A;
	s5 =	simm.s32 @!p2 $0x0  }
0x1d: {  	s5 =	simm.s32 @p1 $0x1;
	p0 =	seq.s32 s7, s2  }
0x1e: {  	s7 =	smul.u32 @!p0 $0xF7A, s2;
	p2 =	seq.s32 @!p0 s5, $0x0  }
0x1f: {  	s9 =	smul.u32 $0xF7A, s1;
	s8 =	simm.s32 @!p0 $0x1BF5;
	p2 =	por !p2, p0  }
0x20: {  	[sflag:s8] =	ssyncset.s32 @!p0 $0xFFFFF086;
	s6 =	sadd.s32 @!p0 s3, s7;
	s7 =	simm.s32 @!p0 $0x108  }
0x21: {  	s3 =	sadd.s32 s3, s9;
	s6 =	sadd.s32 @!p0 $0x88, s6;
	s7 =	simm.s32 @p2 $0x1082  }
0x22: {  	[simem:s7], [sflag:s8] =	dma.local @!p0 [hbm:s6], $0xF7A  }
0x23: {  	s9 =	sor.u32 $0xD0000000, s2;
	s6 =	simm.s32 $0x108;
	_ =	swait.ge @!p0 [sflag:s8], $0x0  }
0x24: {  	s3 =	sadd.s32 $0x88, s3;
	s6 =	simm.s32 @!p1 $0x1082;
	[sflag:s4] =	ssyncset.s32 $0xFFFFF086  }
0x25: {  	[simem:s6], [sflag:s4] =	dma.local [hbm:s3], $0xF7A  }
0x26: {  	[smem:$0x3F94] =	sst s1;
	(tag) =	ssettag s2;
	_ =	strace s9  }
0x27: {  	s1 =	sld [smem:$0x3FA4]  }
0x28: {  	s2 =	sld [smem:$0x3FA5]  }
0x29: {  	s4 =	sld [smem:$0x3FA7]  }
0x2a: {  	p0 =	seq.s32 s5, $0x0;
	s5 =	sld [smem:$0x3FA8]  }
0x2b: {  	s6 =	sld [smem:$0x3FA9]  }
0x2c: {  	s7 =	sld [smem:$0x3FAA]  }
0x2d: {  	s3 =	simm.s32 $0x108;
	s8 =	sld [smem:$0x3FAB]  }
0x2e: {  	s3 =	simm.s32 @!p0 $0x1082;
	s9 =	sld [smem:$0x3FAC]  }
0x2f: {  	lr =	sadd.s32 s0, s3;
	s0 =	sld [smem:$0x3FA3]  }
0x30: {  	s3 =	sld [smem:$0x3FA6]  }
0x31: {  	[smem:$0x3FAF] =	sst s10  }
0x32: {  	s10 =	sld [smem:$0x3FAD];
	_ =	sdelay $0x3  }
0x33: {  	p0 =	seq.s32 s10, $0x1;
	s10 =	sld [smem:$0x3FAF];
	_ =	sdelay $0x3  }
0x34: {  	[smem:$0x3FAF] =	sst s10  }
0x35: {  	s10 =	sld [smem:$0x3FAE];
	_ =	sdelay $0x3  }
0x36: {  	p1 =	seq.s32 s10, $0x1;
	s10 =	sld [smem:$0x3FAF];
	_ =	sdelay $0x3  }
0x37: {  	[smem:$0x3FAF] =	sst s10  }
0x38: {  	s10 =	sld [smem:$0x3FB0]  }
0x39: {  	_ = 	snop;
	(pc) =	sbr.ind lr, $3  }
0x3a: {  	_ = 	snop  }
0x3b: {  	_ = 	snop  }
0x3c: {  	p2 =	seq.s32 s10, $0x1;
	s10 =	sld [smem:$0x3FAF]  }
0x3d: {  	_ =	shalt  }
0x3e: {  	_ =	shalt  }
0x3f: {  	_ =	shalt  }
0x40: {  	_ =	shalt  }
0x41: {  	_ =	shalt  }
0x42: {  	_ =	shalt  }
0x43: {  	_ =	shalt  }
0x44: {  	_ =	shalt  }
0x45: {  	_ =	shalt  }
0x46: {  	_ =	shalt  }
0x47: {  	_ =	shalt  }
0x48: {  	_ =	shalt  }
0x49: {  	_ =	shalt  }
0x4a: {  	_ =	shalt  }
0x4b: {  	_ =	shalt  }
0x4c: {  	_ =	shalt  }
0x4d: {  	_ =	shalt  }
0x4e: {  	_ =	shalt  }
0x4f: {  	_ =	shalt  }
0x50: {  	_ =	shalt  }
0x51: {  	_ =	shalt  }
0x52: {  	_ =	shalt  }
0x53: {  	_ =	shalt  }
0x54: {  	_ =	shalt  }
0x55: {  	_ =	shalt  }
0x56: {  	_ =	shalt  }
0x57: {  	_ =	shalt  }
0x58: {  	_ =	shalt  }
0x59: {  	_ =	shalt  }
0x5a: {  	_ =	shalt  }
0x5b: {  	_ =	shalt  }
0x5c: {  	_ =	shalt  }
0x5d: {  	_ =	shalt  }
0x5e: {  	_ =	shalt  }
0x5f: {  	_ =	shalt  }
0x60: {  	_ =	shalt  }
0x61: {  	_ =	shalt  }
0x62: {  	_ =	shalt  }
0x63: {  	_ =	shalt  }
0x64: {  	_ =	shalt  }
0x65: {  	_ =	shalt  }
0x66: {  	_ =	shalt  }
0x67: {  	_ =	shalt  }
0x68: {  	_ =	shalt  }
0x69: {  	_ =	shalt  }
0x6a: {  	_ =	shalt  }
0x6b: {  	_ =	shalt  }
0x6c: {  	_ =	shalt  }
0x6d: {  	_ =	shalt  }
0x6e: {  	_ =	shalt  }
0x6f: {  	_ =	shalt  }
0x70: {  	_ =	shalt  }
0x71: {  	_ =	shalt  }
0x72: {  	_ =	shalt  }
0x73: {  	_ =	shalt  }
0x74: {  	_ =	shalt  }
0x75: {  	_ =	shalt  }
0x76: {  	_ =	shalt  }
0x77: {  	_ =	shalt  }
0x78: {  	_ =	shalt  }
0x79: {  	_ =	shalt  }
0x7a: {  	_ =	shalt  }
0x7b: {  	_ =	shalt  }
0x7c: {  	_ =	shalt  }
0x7d: {  	_ =	shalt  }
0x7e: {  	_ =	shalt  }
0x7f: {  	_ =	shalt  }
0x80: {  	_ =	shalt  }
0x81: {  	_ =	shalt  }
0x82: {  	_ =	shalt  }
0x83: {  	_ =	shalt  }
0x84: {  	_ =	shalt  }
0x85: {  	_ =	shalt  }
0x86: {  	_ =	shalt  }
0x87: {  	_ =	shalt  }
.Lfunc_end0:
.L_simem_size_0:
called_computation.2_lowered:
.L_overlay_start_0:
0x88: {  	s2 =	sld [smem:$0x3FD9]  }
0x89: {  	s3 =	sld [smem:$0x3FFE];
	_ =	sdelay $0x1  }
0x8a: {  	s1 =	srdreg.scid  }
0x8b: {  	s0 =	sand.u32 $0x1, s1  }
0x8c: {  	s16 =	sshll.u32 s0, $0xA;
	s2 =	sadd.s32 s3, s2  }
0x8d: {  	s2 =	sadd.s32 s2, s16  }
0x8e: {  	[smem:$0x3FBB] =	sst s2  }
0x8f: {  	_ = 	snop  }
0x90: {  	(tm) =	ssettm $0x1  }
0x91: {  	s17 =	sld [smem:$0x3FFB];
	_ =	sdelay $0x3  }
0x92: {  	_ =	strace s17  }
0x93: {  	s2 =	sld [smem:$0x3FFC];
	_ =	sdelay $0x3  }
0x94: {  	_ =	strace s2  }
0x95: {  	s2 =	sld [smem:$0x3FFD];
	_ =	sdelay $0x3  }
0x96: {  	_ =	strace s2  }
0x97: {  	_ =	strace $0x8FFFFFFF  }
0x98: {  	s18 =	sld [smem:$0x3FDB];
	_ =	sdelay $0x1  }
0x99: {  	s19 =	simm.s32 $_scs_section_size  }
0x9a: {  	s4 =	simm.s32 $_size__tile_overlayer_lowered;
	s5 =	simm.s32 $_tile_overlayer_lowered  }
0x9b: {  	s22 =	simm.s32 $0x1BFF;
	s21 =	sshll.u32 s5, $0x1;
	s2 =	sadd.s32 s19, s18  }
0x9c: {  	s6 =	simm.s32 $0x0;
	s20 =	sshll.u32 s4, $0x1;
	s4 =	sadd.s32 s21, s2  }
0x9d: {  	[timem:s6], [sflag:s22] =	dma.local [hbm:s4], s20  }
0x9e: {  	_ =	swait.ge [sflag:s22], s20  }
0x9f: {  	s3 =	ssub.s32 $0x0, s20;
	[sflag:s22] =	ssyncset.done $0x0  }
0xa0: {  	[sflag:s22] =	ssyncadd.s32 s3;
	_ =	sdelay $0x1  }
0xa1: {  	s23 =	simm.s32 $0x1B8B  }
0xa2: {  	_ =	swait.ge [sflag:s23], $0x1  }
0xa3: {  	[sflag:s23] =	ssyncset.done $0x0  }
0xa4: {  	s25 =	simm.s32 $0x1B8E;
	s24 =	sld [smem:$0x3FFE];
	[sflag:s23] =	ssyncadd.s32 $0xFFFFFFFF  }
0xa5: {  	s26 =	simm.s32 $execute0_lowered;
	[smem:$0x3FD2] =	sst s25  }
0xa6: {  	s4 =	sshll.u32 s26, $0x1;
	_ =	strace $0x8000004C;
	[dreg:$0x1] =	wrdreg $0xFFFFFFFF  }
0xa7: {  	s28 =	simm.s32 $_size_execute0_lowered;
	s2 =	sadd.s32 s2, s4;
	[dreg:$0x0] =	wrdreg $0x0  }
0xa8: {  	s4 =	sshll.u32 s28, $0x1;
	[dreg:$0x2] =	wrdreg s2  }
0xa9: {  	[dreg:$0x3] =	wrdreg s4  }
0xaa: {  	[dreg:$0x4] =	wrdreg $0xC0  }
0xab: {  	_ =	task [dreg:s6], $0x5FFFF  }
0xac: {  	[dreg:$0x1] =	wrdreg $0xFFFFFFFF  }
0xad: {  	[dreg:$0x0] =	wrdreg $0x60  }
0xae: {  	[dreg:$0x2] =	wrdreg s24  }
0xaf: {  	[dreg:$0x3] =	wrdreg $0x41000  }
0xb0: {  	[dreg:$0x4] =	wrdreg $0x9  }
0xb1: {  	_ =	task.clear_ibuf [dreg:s6], $0x5FFFF;
	_ =	strace $0x9000004C  }
0xb2: {  	s29 =	simm.s32 $0x9;
	_ =	strace $0x8000004E  }
0xb3: {  	_ =	swait.ge [sflag:s29], $0x1  }
0xb4: {  	[sflag:s29] =	ssyncadd.s32 $0xFFFFFFFF  }
0xb5: {  	_ =	strace $0x9000004E  }
0xb6: {  	_ =	sfence  }
0xb7: {  	s30 =	sld [smem:$0x0];
	_ =	sdelay $0x2  }
0xb8: {  	s31 =	sshll.u32 s1, $0xD;
	s1 =	sshrl.u32 s1, $0x2  }
0xb9: {  	s3 =	sand.u32 $0x4000, s31;
	s1 =	sadd.s32 s1, s30  }
0xba: {  	s0 =	sor.u32 s3, s0;
	s1 =	sshll.u32 s1, $0x11  }
0xbb: {  	s0 =	sor.u32 s1, s0  }
0xbc: {  	s0 =	sadd.s32 $0x8F2B, s0  }
0xbd: {  	[sflag:s0] =	ssyncadd.remote.s32 $0x1  }
0xbe: {  	_ =	sfence.sel $0xFFFF  }
0xbf: {  	[dreg:$0x0] =	wrdreg $0xFFFFFFFF;
	(pc) =	sbr.abs _section_cstart, $3  }
0xc0: {  	[dreg:$0x1] =	wrdreg $0xFFFFFFFF  }
0xc1: {  	_ =	task.clear_ibuf [dreg:s6], $0x2FFFF;
	_ =	strace $0x9FFFFFFF  }
0xc2: {  	(tm) =	ssettm $0x7FFFFFFF  }
0xc3: {  	_ =	shalt  }
tec
execute0_lowered:
.L_overlay_start_1:
0x0: {  	(tag) =	ssettag $0x1  }
0x1: {  	s5 =	rddreg [dreg:$0x0];
	s0 =	srdreg.scid  }
0x2: {  	s2 =	rddreg [dreg:$0x1];
	s1 =	stileid.u32;
	s3 =	simm.s32 $0x0  }
0x3: {  	s15 =	simm.s32 $0x2;
	s16 =	simm.s32 $0x80;
	s7 =	smul.u32 $0x14000, s1  }
0x4: {  	s17 =	simm.s32 $0x1;
	s20 =	simm.s32 $0x0;
	s9 =	smul.u32 $0x50000, s1  }
0x5: {  	s6 =	sand.u32 $0x1, s0;
	s0 =	rddreg [dreg:$0x2];
	s12 =	smul.u32 $0x4F0, s1  }
0x6: {  	[smem:$0x7FF] =	sst s3;
	s18 =	sshll.u32 s1, $0x6;
	s4 =	smul.u32 $0x140000, s6  }
0x7: {  	s8 =	smul.u32 $0x4F00, s6;
	_ =	strace $0x8000004D;
	s6 =	ssub.s32 $0x2, s6  }
0x8: {  	s18 =	sor.u32 $0x1C02, s18;
	s30 =	sshrl.u32 s9, $0x2;
	s31 =	sshrl.u32 s6, $0x1  }
0x9: {  	s7 =	sadd.s32 s7, s4;
	s4 =	sadd.s32 $0x17200, s5;
	s10 =	sadd.s32 s8, s5  }
0xa: {  	s13 =	ssub.s32 s6, s31;
	s7 =	sshrl.u32 s7, $0x3;
	s14 =	sadd.s32 s12, s10  }
0xb: {  	s11 =	sadd.s32 s7, s5;
	s5 =	sadd.s32 s30, s2;
	s12 =	sadd.s32 $0xD400, s14  }
0xc: {  	s6 =	sadd.s32 $0x4000, s5;
	s7 =	sadd.s32 $0x8000, s5;
	s8 =	sadd.s32 $0xC000, s5  }
0xd: {  	s9 =	sadd.s32 $0x10000, s5;
	s10 =	sadd.s32 $0x3E400, s11;
	s11 =	smax.u32 s13, $0x1  }
0xe: {  	v0 =	vimm.f32 $0.0e+00;
	s13 =	sadd.s32 $0x3600, s14;
	s14 =	simm.s32 $0x100;
	s19 =	sshrl.u32 s5, $0x3  }
.LBB2_1:
0xf: {  	s21 =	simm.s32 $0x0;
	s22 =	simm.s32 $0x200  }
.LBB2_2:
0x10: {  	p0 =	sne.s32 s22, $0xFE00;
	[tilespmem:s21+$0x170] =	vst v0  }
0x11: {  	[tilespmem:s21+$0x100] =	vst v0  }
0x12: {  	[tilespmem:s21+$0x110] =	vst v0  }
.Ltmp0:
0x13: {  	[tilespmem:s21+$0x120] =	vst v0;
	(pc) =	sbr.rel @p0 .LBB2_2-.Ltmp0, $4  }
0x14: {  	[tilespmem:s21+$0x130] =	vst v0  }
0x15: {  	[tilespmem:s21+$0x140] =	vst v0  }
0x16: {  	[tilespmem:s21+$0x150] =	vst v0  }
0x17: {  	[tilespmem:s21+$0x160] =	vst v0;
	s21 =	sshra.s32 s22, $0x2;
	s22 =	sadd.s32 $0x200, s22  }
0x18: {  	[tilespmem:s21+$0x170] =	vst v0  }
0x19: {  	[tilespmem:s21+$0x100] =	vst v0  }
0x1a: {  	[tilespmem:s21+$0x110] =	vst v0  }
0x1b: {  	[tilespmem:s21+$0x120] =	vst v0  }
0x1c: {  	[tilespmem:s21+$0x130] =	vst v0  }
0x1d: {  	[tilespmem:s21+$0x140] =	vst v0  }
0x1e: {  	[tilespmem:s21+$0x150] =	vst v0  }
0x1f: {  	[tilespmem:s21+$0x160] =	vst v0  }
0x20: {  	[spmem:s5] =	stream.linear.scatter [tilespmem:s14], [sflag:$0x2], $0x4000, $0x38;
	[tilespmem:$0x18100] =	vst v63  }
0x21: {  	_ =	swait.ge [sflag:s15], $0x4000  }
0x22: {  	[sflag:s15] =	ssyncset.done $0x0  }
0x23: {  	[sflag:s15] =	ssyncadd.s32 $0xFFFFC000  }
0x24: {  	[spmem:s6] =	stream.linear.scatter [tilespmem:s14], [sflag:$0x2], $0x4000, $0x38;
	[tilespmem:$0x18100] =	vst v63  }
0x25: {  	_ =	swait.ge [sflag:s15], $0x4000  }
0x26: {  	[sflag:s15] =	ssyncset.done $0x0  }
0x27: {  	[sflag:s15] =	ssyncadd.s32 $0xFFFFC000  }
0x28: {  	[spmem:s7] =	stream.linear.scatter [tilespmem:s14], [sflag:$0x2], $0x4000, $0x38;
	[tilespmem:$0x18100] =	vst v63  }
0x29: {  	_ =	swait.ge [sflag:s15], $0x4000  }
0x2a: {  	[sflag:s15] =	ssyncset.done $0x0  }
0x2b: {  	[sflag:s15] =	ssyncadd.s32 $0xFFFFC000  }
0x2c: {  	[spmem:s8] =	stream.linear.scatter [tilespmem:s14], [sflag:$0x2], $0x4000, $0x38;
	[tilespmem:$0x18100] =	vst v63  }
0x2d: {  	_ =	swait.ge [sflag:s15], $0x4000  }
0x2e: {  	[sflag:s15] =	ssyncset.done $0x0  }
0x2f: {  	[sflag:s15] =	ssyncadd.s32 $0xFFFFC000  }
0x30: {  	[spmem:s9] =	stream.linear.scatter [tilespmem:s14], [sflag:$0x2], $0x4000, $0x38;
	[tilespmem:$0x18100] =	vst v63  }
0x31: {  	_ =	swait.ge [sflag:s15], $0x4000  }
0x32: {  	[sflag:s15] =	ssyncset.done $0x0  }
0x33: {  	[sflag:s15] =	ssyncadd.s32 $0xFFFFC000  }
0x34: {  	s30 =	sadd.s32 $0x0, s13;
	[bflag:$0x0] =	sbarrier.arrive $0xFFFF  }
0x35: {  	[tilespmem:s3], [sflag:$0x2] =	stream.linear.gather [hbm4b:s30+s3], $0x80, $0x38;
	[tilespmem:$0x18100] =	vst v63  }
0x36: {  	_ =	swait.ge [sflag:s15], $0x80  }
0x37: {  	[sflag:s15] =	ssyncset.done $0x0  }
0x38: {  	s31 =	sadd.s32 $0x0, s12;
	[sflag:s15] =	ssyncadd.s32 $0xFFFFFF80  }
0x39: {  	[tilespmem:s16], [sflag:$0x2] =	stream.linear.gather [hbm4b:s31+s3], $0x80, $0x38;
	[tilespmem:$0x18100] =	vst v63  }
0x3a: {  	_ =	swait.ge [sflag:s15], $0x80  }
0x3b: {  	[sflag:s15] =	ssyncset.done $0x0  }
0x3c: {  	[sflag:s15] =	ssyncadd.s32 $0xFFFFFF80  }
0x3d: {  	[tilespmem:s14], [sflag:$0x1] =	stream.indirect.gather [hbm4b:s4+s16], $0x80, s3, s16, $0xb8;
	[tilespmem:$0x18100] =	vst v63  }
0x3e: {  	_ =	swait.ge [sflag:s17], $0x4000  }
0x3f: {  	[sflag:s17] =	ssyncset.done $0x0  }
0x40: {  	[sflag:s17] =	ssyncadd.s32 $0xFFFFC000  }
0x41: {  	[spmem:s2] =	stream.indirect.scatter.add.f32 [tilespmem:s14], [sflag:$0x2], $0x80, s16, s16, $0xb8;
	[tilespmem:$0x18100] =	vst v63  }
0x42: {  	_ =	swait.ge [sflag:s15], $0x4000  }
0x43: {  	s21 =	simm.s32 $0x10;
	s22 =	simm.s32 $0x20;
	[sflag:s15] =	ssyncset.done $0x0  }
.LBB2_4:
0x44: {  	s23 =	sadd.s32 s21, s13  }
0x45: {  	[sflag:s15] =	ssyncadd.s32 $0xFFFFC000;
	s24 =	smov.u32 s22;
	s25 =	sadd.s32 $0x10, s22  }
0x46: {  	[tilespmem:s3], [sflag:$0x2] =	stream.linear.gather [hbm4b:s23+s3], $0x80, $0x38;
	[tilespmem:$0x18100] =	vst v63  }
0x47: {  	p0 =	sne.s32 s22, $0x4E0;
	_ =	swait.ge [sflag:s15], $0x80  }
0x48: {  	[sflag:s15] =	ssyncset.done $0x0  }
0x49: {  	s22 =	sadd.s32 s21, s12;
	s21 =	smov.u32 s24;
	[sflag:s15] =	ssyncadd.s32 $0xFFFFFF80  }
0x4a: {  	[tilespmem:s16], [sflag:$0x2] =	stream.linear.gather [hbm4b:s22+s3], $0x80, $0x38;
	[tilespmem:$0x18100] =	vst v63  }
0x4b: {  	_ =	swait.ge [sflag:s15], $0x80  }
0x4c: {  	[sflag:s15] =	ssyncset.done $0x0  }
0x4d: {  	[sflag:s15] =	ssyncadd.s32 $0xFFFFFF80  }
0x4e: {  	[tilespmem:s14], [sflag:$0x1] =	stream.indirect.gather [hbm4b:s4+s16], $0x80, s3, s16, $0xb8;
	[tilespmem:$0x18100] =	vst v63  }
0x4f: {  	_ =	swait.ge [sflag:s17], $0x4000  }
.Ltmp1:
0x50: {  	[sflag:s17] =	ssyncset.done $0x0;
	(pc) =	sbr.rel @p0 .LBB2_4-.Ltmp1, $4  }
0x51: {  	[sflag:s17] =	ssyncadd.s32 $0xFFFFC000  }
0x52: {  	[spmem:s2] =	stream.indirect.scatter.add.f32 [tilespmem:s14], [sflag:$0x2], $0x80, s16, s16, $0xb8;
	[tilespmem:$0x18100] =	vst v63  }
0x53: {  	_ =	swait.ge [sflag:s15], $0x4000  }
0x54: {  	s22 =	smov.u32 s25;
	[sflag:s15] =	ssyncset.done $0x0  }
0x55: {  	s22 =	sadd.s32 s21, s13;
	[sflag:s15] =	ssyncadd.s32 $0xFFFFC000  }
0x56: {  	[tilespmem:s3], [sflag:$0x2] =	stream.linear.gather [hbm4b:s22+s3], $0x80, $0x38;
	[tilespmem:$0x18100] =	vst v63  }
0x57: {  	_ =	swait.ge [sflag:s15], $0x80  }
0x58: {  	[sflag:s15] =	ssyncset.done $0x0  }
0x59: {  	s31 =	sadd.s32 s21, s12;
	[sflag:s15] =	ssyncadd.s32 $0xFFFFFF80  }
0x5a: {  	[tilespmem:s16], [sflag:$0x2] =	stream.linear.gather [hbm4b:s31+s3], $0x80, $0x38;
	[tilespmem:$0x18100] =	vst v63  }
0x5b: {  	_ =	swait.ge [sflag:s15], $0x80  }
0x5c: {  	[sflag:s15] =	ssyncset.done $0x0  }
0x5d: {  	[sflag:s15] =	ssyncadd.s32 $0xFFFFFF80  }
0x5e: {  	[tilespmem:s14], [sflag:$0x1] =	stream.indirect.gather [hbm4b:s4+s16], $0x80, s3, s16, $0xb8;
	[tilespmem:$0x18100] =	vst v63  }
0x5f: {  	_ =	swait.ge [sflag:s17], $0x4000  }
0x60: {  	[sflag:s17] =	ssyncset.done $0x0  }
0x61: {  	[sflag:s17] =	ssyncadd.s32 $0xFFFFC000  }
0x62: {  	[spmem:s2] =	stream.indirect.scatter.add.f32 [tilespmem:s14], [sflag:$0x2], $0x80, s16, s16, $0xb8;
	[tilespmem:$0x18100] =	vst v63  }
0x63: {  	_ =	swait.ge [sflag:s15], $0x4000  }
0x64: {  	s20 =	sadd.s32 $0x1, s20;
	[sflag:s15] =	ssyncset.done $0x0  }
0x65: {  	p0 =	sne.s32 s20, s11;
	[sflag:s15] =	ssyncadd.s32 $0xFFFFC000  }
.Ltmp2:
0x66: {  	[bflag:$0x0] =	sbarrier.arrive $0xFFFF;
	(pc) =	sbr.rel @p0 .LBB2_1-.Ltmp2, $4  }
0x67: {  	[hbm:s10], [sflag:s18] =	dma.local [spmem:s19], $0x2800  }
0x68: {  	_ =	swait.ge [sflag:s15], $0x2800  }
0x69: {  	[sflag:s15] =	ssyncset.done $0x0  }
0x6a: {  	[sflag:s15] =	ssyncadd.s32 $0xFFFFD800  }
0x6b: {  	_ =	sfence.sel $0x180000  }
0x6c: {  	[bflag:$0x0] =	sbarrier.arrive $0xFFFF  }
0x6d: {  	p0 =	sne.s32 s1, $0x0;
	_ =	strace $0x9000004D  }
0x6e: {  	s0 =	sadd.s32 @!p0 $0x100000, s0;
	[bflag:$0x2] =	sbarrier.arrive $0xFFFF  }
0x6f: {  	[sflag:s0] =	ssyncadd.tile.s32 @!p0 $0x1;
	_ =	shalt  }
.Lfunc_end2:
_tile_overlayer_lowered:
.L_overlay_start_2:
0x70: {  	(tag) =	ssettag $0x2  }
0x71: {  	s0 =	rddreg [dreg:$0x0];
	s2 =	stileid.u32  }
0x72: {  	s1 =	rddreg [dreg:$0x1];
	p0 =	sne.s32 s2, $0x0  }
0x73: {  	s3 =	rddreg [dreg:$0x2];
	[bflag:$0x3] =	sbarrier.arrive $0xFFFF;
	s2 =	simm.s32 @!p0 $0x1C02  }
0x74: {  	[timem:s3], [sflag:s2] =	dma.local @!p0 [hbm:s0], s1  }
0x75: {  	s0 =	simm.s32 @!p0 $0x2  }
0x76: {  	_ =	swait.ge @!p0 [sflag:s0], s1  }
0x77: {  	s1 =	ssub.s32 @!p0 $0x0, s1;
	[sflag:s0] =	ssyncset.done @!p0 $0x0  }
0x78: {  	[sflag:s0] =	ssyncadd.s32 @!p0 s1  }
0x79: {  	[bflag:$0x3] =	sbarrier.arrive $0xFFFF  }
0x7a: {  	_ =	shalt  }

// kernel: kernel.20.cloned.1.call-start
scs
__scs_entry_jumppad:
0x0: {  	(pc) =	sbr.rel $0x88, $3  }
0x1: {  	(tag) =	ssettag $0x0;
	lr =	simm.s32 $0x1  }
0x2: {  	[smem:$0x3F94] =	sst lr;
	_ =	strace $0xD0000000  }
0x3: {  	_ = 	snop  }
0x4: {  	_ = 	snop  }
0x5: {  	_ = 	snop  }
0x6: {  	_ = 	snop  }
0x7: {  	_ = 	snop  }
__scs_overlays_trampoline_lowered:
0x8: {  	[smem:$0x3FA3] =	sst s0  }
0x9: {  	[smem:$0x3FA4] =	sst s1  }
0xa: {  	[smem:$0x3FA5] =	sst s2  }
0xb: {  	[smem:$0x3FA6] =	sst s3  }
0xc: {  	[smem:$0x3FA7] =	sst s4  }
0xd: {  	[smem:$0x3FA8] =	sst s5  }
0xe: {  	[smem:$0x3FA9] =	sst s6  }
0xf: {  	[smem:$0x3FAA] =	sst s7  }
0x10: {  	[smem:$0x3FAB] =	sst s8  }
0x11: {  	[smem:$0x3FAC] =	sst s9;
	s0 =	simm.s32 @!p0 $0x0  }
0x12: {  	s1 =	sld [smem:$0x3F92];
	s0 =	simm.s32 @p0 $0x1  }
0x13: {  	[smem:$0x3FAD] =	sst s0;
	s0 =	simm.s32 @!p1 $0x0  }
0x14: {  	s2 =	sld [smem:$0x3F91];
	s0 =	simm.s32 @p1 $0x1  }
0x15: {  	[smem:$0x3FAE] =	sst s0;
	s0 =	simm.s32 @!p2 $0x0  }
0x16: {  	s3 =	sld [smem:$0x3FDB];
	s0 =	simm.s32 @p2 $0x1  }
0x17: {  	s4 =	simm.s32 $0x1BF5;
	[smem:$0x3FB0] =	sst s0  }
0x18: {  	s0 =	sld [smem:$0x3F93];
	_ =	swait.ge [sflag:s4], $0x0  }
0x19: {  	s7 =	sld [smem:$0x3F94]  }
0x1a: {  	s8 =	sadd.s32 $0xFFFFE003, lr  }
0x1b: {  	s9 =	sadd.s32 $0xFFFFFEF7, lr;
	s5 =	simm.s32 $0xFFFFFFFF;
	p2 =	slt.u32 s8, $0xFFFFF086  }
0x1c: {  	p1 =	slt.u32 s9, $0xF7A;
	s5 =	simm.s32 @!p2 $0x0  }
0x1d: {  	s5 =	simm.s32 @p1 $0x1;
	p0 =	seq.s32 s7, s2  }
0x1e: {  	s7 =	smul.u32 @!p0 $0xF7A, s2;
	p2 =	seq.s32 @!p0 s5, $0x0  }
0x1f: {  	s9 =	smul.u32 $0xF7A, s1;
	s8 =	simm.s32 @!p0 $0x1BF5;
	p2 =	por !p2, p0  }
0x20: {  	[sflag:s8] =	ssyncset.s32 @!p0 $0xFFFFF086;
	s6 =	sadd.s32 @!p0 s3, s7;
	s7 =	simm.s32 @!p0 $0x108  }
0x21: {  	s3 =	sadd.s32 s3, s9;
	s6 =	sadd.s32 @!p0 $0x88, s6;
	s7 =	simm.s32 @p2 $0x1082  }
0x22: {  	[simem:s7], [sflag:s8] =	dma.local @!p0 [hbm:s6], $0xF7A  }
0x23: {  	s9 =	sor.u32 $0xD0000000, s2;
	s6 =	simm.s32 $0x108;
	_ =	swait.ge @!p0 [sflag:s8], $0x0  }
0x24: {  	s3 =	sadd.s32 $0x88, s3;
	s6 =	simm.s32 @!p1 $0x1082;
	[sflag:s4] =	ssyncset.s32 $0xFFFFF086  }
0x25: {  	[simem:s6], [sflag:s4] =	dma.local [hbm:s3], $0xF7A  }
0x26: {  	[smem:$0x3F94] =	sst s1;
	(tag) =	ssettag s2;
	_ =	strace s9  }
0x27: {  	s1 =	sld [smem:$0x3FA4]  }
0x28: {  	s2 =	sld [smem:$0x3FA5]  }
0x29: {  	s4 =	sld [smem:$0x3FA7]  }
0x2a: {  	p0 =	seq.s32 s5, $0x0;
	s5 =	sld [smem:$0x3FA8]  }
0x2b: {  	s6 =	sld [smem:$0x3FA9]  }
0x2c: {  	s7 =	sld [smem:$0x3FAA]  }
0x2d: {  	s3 =	simm.s32 $0x108;
	s8 =	sld [smem:$0x3FAB]  }
0x2e: {  	s3 =	simm.s32 @!p0 $0x1082;
	s9 =	sld [smem:$0x3FAC]  }
0x2f: {  	lr =	sadd.s32 s0, s3;
	s0 =	sld [smem:$0x3FA3]  }
0x30: {  	s3 =	sld [smem:$0x3FA6]  }
0x31: {  	[smem:$0x3FAF] =	sst s10  }
0x32: {  	s10 =	sld [smem:$0x3FAD];
	_ =	sdelay $0x3  }
0x33: {  	p0 =	seq.s32 s10, $0x1;
	s10 =	sld [smem:$0x3FAF];
	_ =	sdelay $0x3  }
0x34: {  	[smem:$0x3FAF] =	sst s10  }
0x35: {  	s10 =	sld [smem:$0x3FAE];
	_ =	sdelay $0x3  }
0x36: {  	p1 =	seq.s32 s10, $0x1;
	s10 =	sld [smem:$0x3FAF];
	_ =	sdelay $0x3  }
0x37: {  	[smem:$0x3FAF] =	sst s10  }
0x38: {  	s10 =	sld [smem:$0x3FB0]  }
0x39: {  	_ = 	snop;
	(pc) =	sbr.ind lr, $3  }
0x3a: {  	_ = 	snop  }
0x3b: {  	_ = 	snop  }
0x3c: {  	p2 =	seq.s32 s10, $0x1;
	s10 =	sld [smem:$0x3FAF]  }
0x3d: {  	_ =	shalt  }
0x3e: {  	_ =	shalt  }
0x3f: {  	_ =	shalt  }
0x40: {  	_ =	shalt  }
0x41: {  	_ =	shalt  }
0x42: {  	_ =	shalt  }
0x43: {  	_ =	shalt  }
0x44: {  	_ =	shalt  }
0x45: {  	_ =	shalt  }
0x46: {  	_ =	shalt  }
0x47: {  	_ =	shalt  }
0x48: {  	_ =	shalt  }
0x49: {  	_ =	shalt  }
0x4a: {  	_ =	shalt  }
0x4b: {  	_ =	shalt  }
0x4c: {  	_ =	shalt  }
0x4d: {  	_ =	shalt  }
0x4e: {  	_ =	shalt  }
0x4f: {  	_ =	shalt  }
0x50: {  	_ =	shalt  }
0x51: {  	_ =	shalt  }
0x52: {  	_ =	shalt  }
0x53: {  	_ =	shalt  }
0x54: {  	_ =	shalt  }
0x55: {  	_ =	shalt  }
0x56: {  	_ =	shalt  }
0x57: {  	_ =	shalt  }
0x58: {  	_ =	shalt  }
0x59: {  	_ =	shalt  }
0x5a: {  	_ =	shalt  }
0x5b: {  	_ =	shalt  }
0x5c: {  	_ =	shalt  }
0x5d: {  	_ =	shalt  }
0x5e: {  	_ =	shalt  }
0x5f: {  	_ =	shalt  }
0x60: {  	_ =	shalt  }
0x61: {  	_ =	shalt  }
0x62: {  	_ =	shalt  }
0x63: {  	_ =	shalt  }
0x64: {  	_ =	shalt  }
0x65: {  	_ =	shalt  }
0x66: {  	_ =	shalt  }
0x67: {  	_ =	shalt  }
0x68: {  	_ =	shalt  }
0x69: {  	_ =	shalt  }
0x6a: {  	_ =	shalt  }
0x6b: {  	_ =	shalt  }
0x6c: {  	_ =	shalt  }
0x6d: {  	_ =	shalt  }
0x6e: {  	_ =	shalt  }
0x6f: {  	_ =	shalt  }
0x70: {  	_ =	shalt  }
0x71: {  	_ =	shalt  }
0x72: {  	_ =	shalt  }
0x73: {  	_ =	shalt  }
0x74: {  	_ =	shalt  }
0x75: {  	_ =	shalt  }
0x76: {  	_ =	shalt  }
0x77: {  	_ =	shalt  }
0x78: {  	_ =	shalt  }
0x79: {  	_ =	shalt  }
0x7a: {  	_ =	shalt  }
0x7b: {  	_ =	shalt  }
0x7c: {  	_ =	shalt  }
0x7d: {  	_ =	shalt  }
0x7e: {  	_ =	shalt  }
0x7f: {  	_ =	shalt  }
0x80: {  	_ =	shalt  }
0x81: {  	_ =	shalt  }
0x82: {  	_ =	shalt  }
0x83: {  	_ =	shalt  }
0x84: {  	_ =	shalt  }
0x85: {  	_ =	shalt  }
0x86: {  	_ =	shalt  }
0x87: {  	_ =	shalt  }
.Lfunc_end0:
.L_simem_size_0:
called_computation.3_lowered:
.L_overlay_start_0:
0x88: {  	s2 =	sld [smem:$0x3FD9]  }
0x89: {  	s3 =	sld [smem:$0x3FFE];
	_ =	sdelay $0x1  }
0x8a: {  	s1 =	srdreg.scid  }
0x8b: {  	s0 =	sand.u32 $0x1, s1  }
0x8c: {  	s16 =	sshll.u32 s0, $0xA;
	s2 =	sadd.s32 s3, s2  }
0x8d: {  	s2 =	sadd.s32 s2, s16  }
0x8e: {  	[smem:$0x3FBB] =	sst s2  }
0x8f: {  	_ = 	snop  }
0x90: {  	(tm) =	ssettm $0x1  }
0x91: {  	s17 =	sld [smem:$0x3FFB];
	_ =	sdelay $0x3  }
0x92: {  	_ =	strace s17  }
0x93: {  	s2 =	sld [smem:$0x3FFC];
	_ =	sdelay $0x3  }
0x94: {  	_ =	strace s2  }
0x95: {  	s2 =	sld [smem:$0x3FFD];
	_ =	sdelay $0x3  }
0x96: {  	_ =	strace s2  }
0x97: {  	_ =	strace $0x8FFFFFFF  }
0x98: {  	s18 =	sld [smem:$0x3FDB];
	_ =	sdelay $0x1  }
0x99: {  	s19 =	simm.s32 $_scs_section_size  }
0x9a: {  	s4 =	simm.s32 $_size__tile_overlayer_lowered;
	s5 =	simm.s32 $_tile_overlayer_lowered  }
0x9b: {  	s22 =	simm.s32 $0x1BFF;
	s21 =	sshll.u32 s5, $0x1;
	s2 =	sadd.s32 s19, s18  }
0x9c: {  	s6 =	simm.s32 $0x0;
	s20 =	sshll.u32 s4, $0x1;
	s4 =	sadd.s32 s21, s2  }
0x9d: {  	[timem:s6], [sflag:s22] =	dma.local [hbm:s4], s20  }
0x9e: {  	_ =	swait.ge [sflag:s22], s20  }
0x9f: {  	s3 =	ssub.s32 $0x0, s20;
	[sflag:s22] =	ssyncset.done $0x0  }
0xa0: {  	[sflag:s22] =	ssyncadd.s32 s3;
	_ =	sdelay $0x1  }
0xa1: {  	s23 =	simm.s32 $0x1B8B  }
0xa2: {  	_ =	swait.ge [sflag:s23], $0x1  }
0xa3: {  	[sflag:s23] =	ssyncset.done $0x0  }
0xa4: {  	s25 =	simm.s32 $0x1B8E;
	s24 =	sld [smem:$0x3FFE];
	[sflag:s23] =	ssyncadd.s32 $0xFFFFFFFF  }
0xa5: {  	s26 =	simm.s32 $execute0_lowered;
	[smem:$0x3FD2] =	sst s25  }
0xa6: {  	s4 =	sshll.u32 s26, $0x1;
	_ =	strace $0x8000004F;
	[dreg:$0x1] =	wrdreg $0xFFFFFFFF  }
0xa7: {  	s28 =	simm.s32 $_size_execute0_lowered;
	s2 =	sadd.s32 s2, s4;
	[dreg:$0x0] =	wrdreg $0x0  }
0xa8: {  	s4 =	sshll.u32 s28, $0x1;
	[dreg:$0x2] =	wrdreg s2  }
0xa9: {  	[dreg:$0x3] =	wrdreg s4  }
0xaa: {  	[dreg:$0x4] =	wrdreg $0xC0  }
0xab: {  	_ =	task [dreg:s6], $0x5FFFF  }
0xac: {  	[dreg:$0x1] =	wrdreg $0xFFFFFFFF  }
0xad: {  	[dreg:$0x0] =	wrdreg $0x60  }
0xae: {  	[dreg:$0x2] =	wrdreg s24  }
0xaf: {  	[dreg:$0x3] =	wrdreg $0x41000  }
0xb0: {  	[dreg:$0x4] =	wrdreg $0x9  }
0xb1: {  	_ =	task.clear_ibuf [dreg:s6], $0x5FFFF;
	_ =	strace $0x9000004F  }
0xb2: {  	s29 =	simm.s32 $0x9;
	_ =	strace $0x80000051  }
0xb3: {  	_ =	swait.ge [sflag:s29], $0x1  }
0xb4: {  	[sflag:s29] =	ssyncadd.s32 $0xFFFFFFFF  }
0xb5: {  	_ =	strace $0x90000051  }
0xb6: {  	_ =	sfence  }
0xb7: {  	s30 =	sld [smem:$0x0];
	_ =	sdelay $0x2  }
0xb8: {  	s31 =	sshll.u32 s1, $0xD;
	s1 =	sshrl.u32 s1, $0x2  }
0xb9: {  	s3 =	sand.u32 $0x4000, s31;
	s1 =	sadd.s32 s1, s30  }
0xba: {  	s0 =	sor.u32 s3, s0;
	s1 =	sshll.u32 s1, $0x11  }
0xbb: {  	s0 =	sor.u32 s1, s0  }
0xbc: {  	s0 =	sadd.s32 $0x8F2B, s0  }
0xbd: {  	[sflag:s0] =	ssyncadd.remote.s32 $0x1  }
0xbe: {  	_ =	sfence.sel $0xFFFF  }
0xbf: {  	[dreg:$0x0] =	wrdreg $0xFFFFFFFF;
	(pc) =	sbr.abs _section_cstart, $3  }
0xc0: {  	[dreg:$0x1] =	wrdreg $0xFFFFFFFF  }
0xc1: {  	_ =	task.clear_ibuf [dreg:s6], $0x2FFFF;
	_ =	strace $0x9FFFFFFF  }
0xc2: {  	(tm) =	ssettm $0x7FFFFFFF  }
0xc3: {  	_ =	shalt  }
tec
execute0_lowered:
.L_overlay_start_1:
0x0: {  	(tag) =	ssettag $0x1  }
0x1: {  	s5 =	rddreg [dreg:$0x0];
	s0 =	srdreg.scid  }
0x2: {  	s2 =	rddreg [dreg:$0x1];
	s1 =	stileid.u32;
	s3 =	simm.s32 $0x0  }
0x3: {  	s15 =	simm.s32 $0x2;
	s16 =	simm.s32 $0x80;
	s7 =	smul.u32 $0x14000, s1  }
0x4: {  	s17 =	simm.s32 $0x1;
	s20 =	simm.s32 $0x0;
	s9 =	smul.u32 $0x50000, s1  }
0x5: {  	s6 =	sand.u32 $0x1, s0;
	s0 =	rddreg [dreg:$0x2];
	s12 =	smul.u32 $0x4F0, s1  }
0x6: {  	[smem:$0x7FF] =	sst s3;
	s18 =	sshll.u32 s1, $0x6;
	s4 =	smul.u32 $0x140000, s6  }
0x7: {  	s8 =	smul.u32 $0x4F00, s6;
	_ =	strace $0x80000050;
	s6 =	ssub.s32 $0x2, s6  }
0x8: {  	s18 =	sor.u32 $0x1C02, s18;
	s30 =	sshrl.u32 s9, $0x2;
	s31 =	sshrl.u32 s6, $0x1  }
0x9: {  	s7 =	sadd.s32 s7, s4;
	s4 =	sadd.s32 $0x17200, s5;
	s10 =	sadd.s32 s8, s5  }
0xa: {  	s13 =	ssub.s32 s6, s31;
	s7 =	sshrl.u32 s7, $0x3;
	s14 =	sadd.s32 s12, s10  }
0xb: {  	s11 =	sadd.s32 s7, s5;
	s5 =	sadd.s32 s30, s2;
	s12 =	sadd.s32 $0xD400, s14  }
0xc: {  	s6 =	sadd.s32 $0x4000, s5;
	s7 =	sadd.s32 $0x8000, s5;
	s8 =	sadd.s32 $0xC000, s5  }
0xd: {  	s9 =	sadd.s32 $0x10000, s5;
	s10 =	sadd.s32 $0x3E400, s11;
	s11 =	smax.u32 s13, $0x1  }
0xe: {  	v0 =	vimm.f32 $0.0e+00;
	s13 =	sadd.s32 $0x3600, s14;
	s14 =	simm.s32 $0x100;
	s19 =	sshrl.u32 s5, $0x3  }
.LBB2_1:
0xf: {  	s21 =	simm.s32 $0x0;
	s22 =	simm.s32 $0x200  }
.LBB2_2:
0x10: {  	p0 =	sne.s32 s22, $0xFE00;
	[tilespmem:s21+$0x170] =	vst v0  }
0x11: {  	[tilespmem:s21+$0x100] =	vst v0  }
0x12: {  	[tilespmem:s21+$0x110] =	vst v0  }
.Ltmp0:
0x13: {  	[tilespmem:s21+$0x120] =	vst v0;
	(pc) =	sbr.rel @p0 .LBB2_2-.Ltmp0, $4  }
0x14: {  	[tilespmem:s21+$0x130] =	vst v0  }
0x15: {  	[tilespmem:s21+$0x140] =	vst v0  }
0x16: {  	[tilespmem:s21+$0x150] =	vst v0  }
0x17: {  	[tilespmem:s21+$0x160] =	vst v0;
	s21 =	sshra.s32 s22, $0x2;
	s22 =	sadd.s32 $0x200, s22  }
0x18: {  	[tilespmem:s21+$0x170] =	vst v0  }
0x19: {  	[tilespmem:s21+$0x100] =	vst v0  }
0x1a: {  	[tilespmem:s21+$0x110] =	vst v0  }
0x1b: {  	[tilespmem:s21+$0x120] =	vst v0  }
0x1c: {  	[tilespmem:s21+$0x130] =	vst v0  }
0x1d: {  	[tilespmem:s21+$0x140] =	vst v0  }
0x1e: {  	[tilespmem:s21+$0x150] =	vst v0  }
0x1f: {  	[tilespmem:s21+$0x160] =	vst v0  }
0x20: {  	[spmem:s5] =	stream.linear.scatter [tilespmem:s14], [sflag:$0x2], $0x4000, $0x38;
	[tilespmem:$0x18100] =	vst v63  }
0x21: {  	_ =	swait.ge [sflag:s15], $0x4000  }
0x22: {  	[sflag:s15] =	ssyncset.done $0x0  }
0x23: {  	[sflag:s15] =	ssyncadd.s32 $0xFFFFC000  }
0x24: {  	[spmem:s6] =	stream.linear.scatter [tilespmem:s14], [sflag:$0x2], $0x4000, $0x38;
	[tilespmem:$0x18100] =	vst v63  }
0x25: {  	_ =	swait.ge [sflag:s15], $0x4000  }
0x26: {  	[sflag:s15] =	ssyncset.done $0x0  }
0x27: {  	[sflag:s15] =	ssyncadd.s32 $0xFFFFC000  }
0x28: {  	[spmem:s7] =	stream.linear.scatter [tilespmem:s14], [sflag:$0x2], $0x4000, $0x38;
	[tilespmem:$0x18100] =	vst v63  }
0x29: {  	_ =	swait.ge [sflag:s15], $0x4000  }
0x2a: {  	[sflag:s15] =	ssyncset.done $0x0  }
0x2b: {  	[sflag:s15] =	ssyncadd.s32 $0xFFFFC000  }
0x2c: {  	[spmem:s8] =	stream.linear.scatter [tilespmem:s14], [sflag:$0x2], $0x4000, $0x38;
	[tilespmem:$0x18100] =	vst v63  }
0x2d: {  	_ =	swait.ge [sflag:s15], $0x4000  }
0x2e: {  	[sflag:s15] =	ssyncset.done $0x0  }
0x2f: {  	[sflag:s15] =	ssyncadd.s32 $0xFFFFC000  }
0x30: {  	[spmem:s9] =	stream.linear.scatter [tilespmem:s14], [sflag:$0x2], $0x4000, $0x38;
	[tilespmem:$0x18100] =	vst v63  }
0x31: {  	_ =	swait.ge [sflag:s15], $0x4000  }
0x32: {  	[sflag:s15] =	ssyncset.done $0x0  }
0x33: {  	[sflag:s15] =	ssyncadd.s32 $0xFFFFC000  }
0x34: {  	s30 =	sadd.s32 $0x0, s13;
	[bflag:$0x0] =	sbarrier.arrive $0xFFFF  }
0x35: {  	[tilespmem:s3], [sflag:$0x2] =	stream.linear.gather [hbm4b:s30+s3], $0x80, $0x38;
	[tilespmem:$0x18100] =	vst v63  }
0x36: {  	_ =	swait.ge [sflag:s15], $0x80  }
0x37: {  	[sflag:s15] =	ssyncset.done $0x0  }
0x38: {  	s31 =	sadd.s32 $0x0, s12;
	[sflag:s15] =	ssyncadd.s32 $0xFFFFFF80  }
0x39: {  	[tilespmem:s16], [sflag:$0x2] =	stream.linear.gather [hbm4b:s31+s3], $0x80, $0x38;
	[tilespmem:$0x18100] =	vst v63  }
0x3a: {  	_ =	swait.ge [sflag:s15], $0x80  }
0x3b: {  	[sflag:s15] =	ssyncset.done $0x0  }
0x3c: {  	[sflag:s15] =	ssyncadd.s32 $0xFFFFFF80  }
0x3d: {  	[tilespmem:s14], [sflag:$0x1] =	stream.indirect.gather [hbm4b:s4+s16], $0x80, s3, s16, $0xb8;
	[tilespmem:$0x18100] =	vst v63  }
0x3e: {  	_ =	swait.ge [sflag:s17], $0x4000  }
0x3f: {  	[sflag:s17] =	ssyncset.done $0x0  }
0x40: {  	[sflag:s17] =	ssyncadd.s32 $0xFFFFC000  }
0x41: {  	[spmem:s2] =	stream.indirect.scatter.add.f32 [tilespmem:s14], [sflag:$0x2], $0x80, s16, s16, $0xb8;
	[tilespmem:$0x18100] =	vst v63  }
0x42: {  	_ =	swait.ge [sflag:s15], $0x4000  }
0x43: {  	s21 =	simm.s32 $0x10;
	s22 =	simm.s32 $0x20;
	[sflag:s15] =	ssyncset.done $0x0  }
.LBB2_4:
0x44: {  	s23 =	sadd.s32 s21, s13  }
0x45: {  	[sflag:s15] =	ssyncadd.s32 $0xFFFFC000;
	s24 =	smov.u32 s22;
	s25 =	sadd.s32 $0x10, s22  }
0x46: {  	[tilespmem:s3], [sflag:$0x2] =	stream.linear.gather [hbm4b:s23+s3], $0x80, $0x38;
	[tilespmem:$0x18100] =	vst v63  }
0x47: {  	p0 =	sne.s32 s22, $0x4E0;
	_ =	swait.ge [sflag:s15], $0x80  }
0x48: {  	[sflag:s15] =	ssyncset.done $0x0  }
0x49: {  	s22 =	sadd.s32 s21, s12;
	s21 =	smov.u32 s24;
	[sflag:s15] =	ssyncadd.s32 $0xFFFFFF80  }
0x4a: {  	[tilespmem:s16], [sflag:$0x2] =	stream.linear.gather [hbm4b:s22+s3], $0x80, $0x38;
	[tilespmem:$0x18100] =	vst v63  }
0x4b: {  	_ =	swait.ge [sflag:s15], $0x80  }
0x4c: {  	[sflag:s15] =	ssyncset.done $0x0  }
0x4d: {  	[sflag:s15] =	ssyncadd.s32 $0xFFFFFF80  }
0x4e: {  	[tilespmem:s14], [sflag:$0x1] =	stream.indirect.gather [hbm4b:s4+s16], $0x80, s3, s16, $0xb8;
	[tilespmem:$0x18100] =	vst v63  }
0x4f: {  	_ =	swait.ge [sflag:s17], $0x4000  }
.Ltmp1:
0x50: {  	[sflag:s17] =	ssyncset.done $0x0;
	(pc) =	sbr.rel @p0 .LBB2_4-.Ltmp1, $4  }
0x51: {  	[sflag:s17] =	ssyncadd.s32 $0xFFFFC000  }
0x52: {  	[spmem:s2] =	stream.indirect.scatter.add.f32 [tilespmem:s14], [sflag:$0x2], $0x80, s16, s16, $0xb8;
	[tilespmem:$0x18100] =	vst v63  }
0x53: {  	_ =	swait.ge [sflag:s15], $0x4000  }
0x54: {  	s22 =	smov.u32 s25;
	[sflag:s15] =	ssyncset.done $0x0  }
0x55: {  	s22 =	sadd.s32 s21, s13;
	[sflag:s15] =	ssyncadd.s32 $0xFFFFC000  }
0x56: {  	[tilespmem:s3], [sflag:$0x2] =	stream.linear.gather [hbm4b:s22+s3], $0x80, $0x38;
	[tilespmem:$0x18100] =	vst v63  }
0x57: {  	_ =	swait.ge [sflag:s15], $0x80  }
0x58: {  	[sflag:s15] =	ssyncset.done $0x0  }
0x59: {  	s31 =	sadd.s32 s21, s12;
	[sflag:s15] =	ssyncadd.s32 $0xFFFFFF80  }
0x5a: {  	[tilespmem:s16], [sflag:$0x2] =	stream.linear.gather [hbm4b:s31+s3], $0x80, $0x38;
	[tilespmem:$0x18100] =	vst v63  }
0x5b: {  	_ =	swait.ge [sflag:s15], $0x80  }
0x5c: {  	[sflag:s15] =	ssyncset.done $0x0  }
0x5d: {  	[sflag:s15] =	ssyncadd.s32 $0xFFFFFF80  }
0x5e: {  	[tilespmem:s14], [sflag:$0x1] =	stream.indirect.gather [hbm4b:s4+s16], $0x80, s3, s16, $0xb8;
	[tilespmem:$0x18100] =	vst v63  }
0x5f: {  	_ =	swait.ge [sflag:s17], $0x4000  }
0x60: {  	[sflag:s17] =	ssyncset.done $0x0  }
0x61: {  	[sflag:s17] =	ssyncadd.s32 $0xFFFFC000  }
0x62: {  	[spmem:s2] =	stream.indirect.scatter.add.f32 [tilespmem:s14], [sflag:$0x2], $0x80, s16, s16, $0xb8;
	[tilespmem:$0x18100] =	vst v63  }
0x63: {  	_ =	swait.ge [sflag:s15], $0x4000  }
0x64: {  	s20 =	sadd.s32 $0x1, s20;
	[sflag:s15] =	ssyncset.done $0x0  }
0x65: {  	p0 =	sne.s32 s20, s11;
	[sflag:s15] =	ssyncadd.s32 $0xFFFFC000  }
.Ltmp2:
0x66: {  	[bflag:$0x0] =	sbarrier.arrive $0xFFFF;
	(pc) =	sbr.rel @p0 .LBB2_1-.Ltmp2, $4  }
0x67: {  	[hbm:s10], [sflag:s18] =	dma.local [spmem:s19], $0x2800  }
0x68: {  	_ =	swait.ge [sflag:s15], $0x2800  }
0x69: {  	[sflag:s15] =	ssyncset.done $0x0  }
0x6a: {  	[sflag:s15] =	ssyncadd.s32 $0xFFFFD800  }
0x6b: {  	_ =	sfence.sel $0x180000  }
0x6c: {  	[bflag:$0x0] =	sbarrier.arrive $0xFFFF  }
0x6d: {  	p0 =	sne.s32 s1, $0x0;
	_ =	strace $0x90000050  }
0x6e: {  	s0 =	sadd.s32 @!p0 $0x100000, s0;
	[bflag:$0x2] =	sbarrier.arrive $0xFFFF  }
0x6f: {  	[sflag:s0] =	ssyncadd.tile.s32 @!p0 $0x1;
	_ =	shalt  }
.Lfunc_end2:
_tile_overlayer_lowered:
.L_overlay_start_2:
0x70: {  	(tag) =	ssettag $0x2  }
0x71: {  	s0 =	rddreg [dreg:$0x0];
	s2 =	stileid.u32  }
0x72: {  	s1 =	rddreg [dreg:$0x1];
	p0 =	sne.s32 s2, $0x0  }
0x73: {  	s3 =	rddreg [dreg:$0x2];
	[bflag:$0x3] =	sbarrier.arrive $0xFFFF;
	s2 =	simm.s32 @!p0 $0x1C02  }
0x74: {  	[timem:s3], [sflag:s2] =	dma.local @!p0 [hbm:s0], s1  }
0x75: {  	s0 =	simm.s32 @!p0 $0x2  }
0x76: {  	_ =	swait.ge @!p0 [sflag:s0], s1  }
0x77: {  	s1 =	ssub.s32 @!p0 $0x0, s1;
	[sflag:s0] =	ssyncset.done @!p0 $0x0  }
0x78: {  	[sflag:s0] =	ssyncadd.s32 @!p0 s1  }
0x79: {  	[bflag:$0x3] =	sbarrier.arrive $0xFFFF  }
0x7a: {  	_ =	shalt  }

</sc_bundles>
